<compile_context>
chip_gen: v7x
topology: tpu7x:2x2x1
jax: 0.10.2.dev20260603
libtpu: 0.0.44.dev20260713+nightly
codegen_flags: <defaults>
</compile_context>

<pallas_src>
import functools

import jax
import jax.numpy as jnp
from jax import lax
from jax.experimental import pallas as pl
from jax.experimental.pallas import tpu as pltpu
from jax.experimental.pallas import tpu_sc as plsc

NC = 2
NS = 16
NW = NC * NS
CHUNK = 125

_PREC = lax.Precision.DEFAULT


def _segment_sum_sc(yl, sd, zeros, z16, ones16, with_deg):
    _, d = yl.shape
    n = zeros.shape[0]
    steps = sd.shape[2]
    rpt = n // NS
    mesh = plsc.VectorSubcoreMesh(
        core_axis_name="c", subcore_axis_name="s", num_cores=NC, num_subcores=NS)

    out_type = [jax.ShapeDtypeStruct((NC, n, d), jnp.float32)]
    scratch = [
        pltpu.VMEM((2, CHUNK), jnp.int32),
        pltpu.VMEM((2, CHUNK), jnp.int32),
        pltpu.VMEM((CHUNK, d), jnp.float32),
        pltpu.VMEM((CHUNK, d), jnp.float32),
        pltpu.VMEM_SHARED((n, d), jnp.float32),
        pltpu.SemaphoreType.DMA,
        pltpu.SemaphoreType.DMA,
        pltpu.SemaphoreType.DMA,
        pltpu.SemaphoreType.DMA,
    ]
    if with_deg:
        out_type.append(jax.ShapeDtypeStruct((NC, n, 16), jnp.float32))
        scratch += [
            pltpu.VMEM((CHUNK, 16), jnp.float32),
            pltpu.VMEM_SHARED((n, 16), jnp.float32),
            pltpu.SemaphoreType.DMA,
        ]

    @functools.partial(
        pl.kernel, out_type=out_type, mesh=mesh, scratch_types=scratch,
        compiler_params=pltpu.CompilerParams(use_tc_tiling_on_sc=False),
    )
    def segsum(yl_hbm, ei_hbm, z_hbm, z16_hbm, o16_hbm, *rest):
        if with_deg:
            (out_hbm, deg_hbm, idx_a, idx_b, rows_a, rows_b, acc,
             sem_ga, sem_gb, sem_sa, sem_sb, ones_v, acc16, sem_d) = rest
        else:
            (out_hbm, idx_a, idx_b, rows_a, rows_b, acc,
             sem_ga, sem_gb, sem_sa, sem_sb) = rest
        c = lax.axis_index("c")
        s = lax.axis_index("s")
        wid = s * NC + c
        pltpu.sync_copy(z_hbm.at[pl.ds(s * rpt, rpt)], acc.at[pl.ds(s * rpt, rpt)])
        if with_deg:
            pltpu.sync_copy(z16_hbm.at[pl.ds(s * rpt, rpt)],
                            acc16.at[pl.ds(s * rpt, rpt)])
            pltpu.sync_copy(o16_hbm, ones_v)
        plsc.subcore_barrier()

        def load_idx(i, idx):
            pltpu.sync_copy(ei_hbm.at[0, wid, i], idx.at[0])
            pltpu.sync_copy(ei_hbm.at[1, wid, i], idx.at[1])

        def gather(idx, rows, sem):
            pltpu.make_async_copy(yl_hbm.at[idx.at[0]], rows, sem).start()

        def gwait(rows, sem):
            pltpu.make_async_copy(yl_hbm, rows, sem).wait()

        def scatter(idx, rows, sem):
            return pltpu.async_copy(rows, acc.at[idx.at[1]], sem, add=True)

        def deg_scatter(idx):
            if with_deg:
                return pltpu.async_copy(ones_v, acc16.at[idx.at[1]], sem_d,
                                        add=True)
            return None

        load_idx(0, idx_a)
        gather(idx_a, rows_a, sem_ga)
        load_idx(1, idx_b)

        def pair(p, carry):
            i = 2 * p
            gwait(rows_a, sem_ga)
            gather(idx_b, rows_b, sem_gb)
            da = scatter(idx_a, rows_a, sem_sa)
            dd = deg_scatter(idx_a)
            gwait(rows_b, sem_gb)
            db = scatter(idx_b, rows_b, sem_sb)
            da.wait()
            if dd is not None:
                dd.wait()

            @pl.when(i + 2 < steps)
            def _():
                load_idx(i + 2, idx_a)
                gather(idx_a, rows_a, sem_ga)

            db.wait()
            de = deg_scatter(idx_b)
            if de is not None:
                de.wait()

            @pl.when(i + 3 < steps)
            def _():
                load_idx(i + 3, idx_b)

            return carry

        lax.fori_loop(0, steps // 2, pair, 0)
        if steps % 2 == 1:
            gwait(rows_a, sem_ga)
            scatter(idx_a, rows_a, sem_sa).wait()
            dd = deg_scatter(idx_a)
            if dd is not None:
                dd.wait()
        plsc.subcore_barrier()
        pltpu.sync_copy(acc.at[pl.ds(s * rpt, rpt)],
                        out_hbm.at[c, pl.ds(s * rpt, rpt)])
        if with_deg:
            pltpu.sync_copy(acc16.at[pl.ds(s * rpt, rpt)],
                            deg_hbm.at[c, pl.ds(s * rpt, rpt)])

    return segsum(yl, sd, zeros, z16, ones16)


def _pre_body(x_ref, wl_ref, wr_ref, b_ref, yl_ref, yr_ref):
    x = x_ref[...]
    yl_ref[...] = jnp.dot(x, wl_ref[...], preferred_element_type=jnp.float32,
                          precision=_PREC)
    yr_ref[...] = jnp.dot(x, wr_ref[...], preferred_element_type=jnp.float32,
                          precision=_PREC) + b_ref[...]


def _bn(h0, g_ref, be_ref):
    mu = jnp.mean(h0, axis=0, keepdims=True)
    var = jnp.mean((h0 - mu) * (h0 - mu), axis=0, keepdims=True)
    return (h0 - mu) * lax.rsqrt(var + 1e-5) * g_ref[...] + be_ref[...]


def _bnact_body(n, relu, parts_ref, degp_ref, yr_ref, g_ref, be_ref, out_ref):
    agg = parts_ref[0, :n] + parts_ref[1, :n]
    deg = jnp.maximum(degp_ref[0, :n, 0:1] + degp_ref[1, :n, 0:1], 1.0)
    h0 = agg / deg + yr_ref[...]
    h = _bn(h0, g_ref, be_ref)
    out_ref[...] = jnp.maximum(h, 0.0) if relu else h


def _mid_body(n, parts_ref, degp_ref, yr_ref, g_ref, be_ref,
              wl_ref, wr_ref, b_ref, yl2_ref, yr2_ref):
    agg = parts_ref[0, :n] + parts_ref[1, :n]
    deg = jnp.maximum(degp_ref[0, :n, 0:1] + degp_ref[1, :n, 0:1], 1.0)
    h0 = agg / deg + yr_ref[...]
    h = jnp.maximum(_bn(h0, g_ref, be_ref), 0.0)
    yl2_ref[...] = jnp.dot(h, wl_ref[...], preferred_element_type=jnp.float32,
                           precision=_PREC)
    yr2_ref[...] = jnp.dot(h, wr_ref[...], preferred_element_type=jnp.float32,
                           precision=_PREC) + b_ref[...]


def kernel(x, edge_index, Wl1, Wr1, b1, g1, be1, Wl2, Wr2, b2, g2, be2):
    n, d = x.shape
    f32 = jnp.float32
    e = edge_index.shape[1]
    epw = e // NW
    steps = epw // CHUNK
    sd = edge_index.reshape(2, NW, steps, CHUNK)
    n_pad = -(-n // (NS * 8)) * (NS * 8)
    zeros = jnp.zeros((n_pad, d), f32)
    z16 = jnp.zeros((n_pad, 16), f32)
    ones16 = jnp.zeros((CHUNK, 16), f32).at[:, 0].set(1.0)

    yl1, yr1 = pl.pallas_call(
        _pre_body,
        out_shape=[jax.ShapeDtypeStruct((n, d), f32),
                   jax.ShapeDtypeStruct((n, d), f32)],
    )(x, Wl1, Wr1, b1.reshape(1, d))

    parts1, degp = _segment_sum_sc(yl1, sd, zeros, z16, ones16, True)

    yl2, yr2 = pl.pallas_call(
        functools.partial(_mid_body, n),
        out_shape=[jax.ShapeDtypeStruct((n, d), f32),
                   jax.ShapeDtypeStruct((n, d), f32)],
    )(parts1, degp, yr1, g1.reshape(1, d), be1.reshape(1, d),
      Wl2, Wr2, b2.reshape(1, d))

    parts2 = _segment_sum_sc(yl2, sd, zeros, z16, ones16, False)[0]

    out = pl.pallas_call(
        functools.partial(_bnact_body, n, False),
        out_shape=jax.ShapeDtypeStruct((n, d), f32),
    )(parts2, degp, yr2, g2.reshape(1, d), be2.reshape(1, d))
    return out

# --- scband reference (transcript-rebuilt; emitter-appended) ---
"""Pipeline reference for scband-news-entity-gnn-678604832875 (READ-ONLY COPY).

The authoritative reference and input builder live on the scoring server;
editing this copy changes nothing except your own understanding.
"""

import jax, jax.numpy as jnp
import numpy as np

N = 10000
E = 320000
D_IN = 128
D_HID = 128
D_OUT = 128


def setup_inputs(seed: int = 0) -> dict:
    key = jax.random.key(seed)
    ks = jax.random.split(key, 16)
    x = jax.random.normal(ks[0], (N, D_IN), dtype=jnp.float32)
    edge_index = jax.random.randint(ks[1], (2, E), 0, N, dtype=jnp.int32)
    s1 = 1.0 / np.sqrt(D_IN)
    s2 = 1.0 / np.sqrt(D_HID)
    Wl1 = jax.random.normal(ks[2], (D_IN, D_HID), dtype=jnp.float32) * s1
    Wr1 = jax.random.normal(ks[3], (D_IN, D_HID), dtype=jnp.float32) * s1
    b1 = jnp.zeros((D_HID,), dtype=jnp.float32)
    g1 = jnp.ones((D_HID,), dtype=jnp.float32)
    be1 = jnp.zeros((D_HID,), dtype=jnp.float32)
    Wl2 = jax.random.normal(ks[4], (D_HID, D_OUT), dtype=jnp.float32) * s2
    Wr2 = jax.random.normal(ks[5], (D_HID, D_OUT), dtype=jnp.float32) * s2
    b2 = jnp.zeros((D_OUT,), dtype=jnp.float32)
    g2 = jnp.ones((D_OUT,), dtype=jnp.float32)
    be2 = jnp.zeros((D_OUT,), dtype=jnp.float32)
    return {"x": x, "edge_index": edge_index, "Wl1": Wl1, "Wr1": Wr1, "b1": b1,
            "g1": g1, "be1": be1, "Wl2": Wl2, "Wr2": Wr2, "b2": b2, "g2": g2, "be2": be2}


def _sage_conv(x, edge_index, Wl, Wr, b):
    # PyG SAGEConv (mean aggr): out = lin_l(mean_j x_j) + lin_r(x_i)
    src = edge_index[0]
    dst = edge_index[1]
    msgs = jnp.take(x, src, axis=0)
    agg = jax.ops.segment_sum(msgs, dst, num_segments=N)
    deg = jax.ops.segment_sum(jnp.ones((msgs.shape[0],), dtype=x.dtype), dst, num_segments=N)
    agg = agg / jnp.maximum(deg, 1.0)[:, None]
    return agg @ Wl + b + x @ Wr


def _batch_norm(h, g, b, eps=1e-5):
    mu = jnp.mean(h, axis=0)
    var = jnp.var(h, axis=0)
    return (h - mu) / jnp.sqrt(var + eps) * g + b


def reference(x, edge_index, Wl1, Wr1, b1, g1, be1, Wl2, Wr2, b2, g2, be2):
    h = _sage_conv(x, edge_index, Wl1, Wr1, b1)
    h = _batch_norm(h, g1, be1)
    h = jax.nn.relu(h)
    # dropout is identity in deterministic/eval reference
    h = _sage_conv(h, edge_index, Wl2, Wr2, b2)
    h = _batch_norm(h, g2, be2)
    return h

if __name__ == "__main__":
    import jax
    _d = setup_inputs()
    print(jax.jit(kernel)(*tuple(_d.values())))

</pallas_src>

<mosaic_0001>
#map = affine_map<(d0, d1) -> (0, 0)>
#map1 = affine_map<(d0, d1) -> (0, 0, 0, 0)>
#map2 = affine_map<(d0, d1) -> (0, 0, 0)>
module attributes {stable_mosaic.version = 14 : i64} {
  func.func @segsum(%arg0: i32, %arg1: i32, %arg2: memref<10000x128xf32, #tpu.memory_space<hbm>>, %arg3: memref<2x32x80x125xi32, #tpu.memory_space<hbm>>, %arg4: memref<10112x128xf32, #tpu.memory_space<hbm>>, %arg5: memref<10112x16xf32, #tpu.memory_space<hbm>>, %arg6: memref<125x16xf32, #tpu.memory_space<hbm>>, %arg7: memref<2x10112x128xf32, #tpu.memory_space<hbm>>, %arg8: memref<2x10112x16xf32, #tpu.memory_space<hbm>>, %arg9: memref<2x125xi32, #tpu.memory_space<vmem>>, %arg10: memref<2x125xi32, #tpu.memory_space<vmem>>, %arg11: memref<125x128xf32, #tpu.memory_space<vmem>>, %arg12: memref<125x128xf32, #tpu.memory_space<vmem>>, %arg13: memref<10112x128xf32, #tpu.memory_space<vmem_shared>>, %arg14: memref<!tpu.dma_semaphore, #tpu.memory_space<semaphore_mem>>, %arg15: memref<!tpu.dma_semaphore, #tpu.memory_space<semaphore_mem>>, %arg16: memref<!tpu.dma_semaphore, #tpu.memory_space<semaphore_mem>>, %arg17: memref<!tpu.dma_semaphore, #tpu.memory_space<semaphore_mem>>, %arg18: memref<125x16xf32, #tpu.memory_space<vmem>>, %arg19: memref<10112x16xf32, #tpu.memory_space<vmem_shared>>, %arg20: memref<!tpu.dma_semaphore, #tpu.memory_space<semaphore_mem>>) attributes {dimension_semantics = [#tpu.dimension_semantics<core_parallel>, #tpu.dimension_semantics<subcore_parallel>], iteration_bounds = array<i64: 2, 16>, scalar_prefetch = 0 : i64, scratch_operands = 12 : i64, tpu.core_type = #tpu.core_type<sc_vector_subcore>, window_params = [{transform_indices = #map}, {transform_indices = #map1}, {transform_indices = #map}, {transform_indices = #map}, {transform_indices = #map}, {transform_indices = #map2}, {transform_indices = #map2}]} {
    %mul3A = arith.constant 2 : i32
    %mul3A_0 = arith.muli %arg1, %mul3A : i32
    %add3A = arith.addi %mul3A_0, %arg0 : i32
    %mul3A_1 = arith.constant 632 : i32
    %mul3A_2 = arith.muli %arg1, %mul3A_1 : i32
    %mul3A_3 = arith.constant 632 : i32
    %mul3A_4 = arith.muli %arg1, %mul3A_3 : i32
    "tpu.region"() ({
      %run_scoped3A_40 = tpu.sem_alloc : memref<!tpu.dma_semaphore, #tpu.memory_space<semaphore_mem>>
      %dma_start3A_41 = arith.constant 0 : i32
      %dma_start3A_42 = tpu.memref_slice %arg13[%mul3A_4, %dma_start3A_41] : memref<10112x128xf32, #tpu.memory_space<vmem_shared>> -> memref<632x128xf32, #tpu.memory_space<vmem_shared>>
      %dma_start3A_43 = arith.constant 0 : i32
      %dma_start3A_44 = tpu.memref_slice %arg4[%mul3A_2, %dma_start3A_43] : memref<10112x128xf32, #tpu.memory_space<hbm>> -> memref<632x128xf32, #tpu.memory_space<hbm>>
      tpu.enqueue_dma source(%dma_start3A_44 : memref<632x128xf32, #tpu.memory_space<hbm>>) target(%dma_start3A_42 : memref<632x128xf32, #tpu.memory_space<vmem_shared>>) target_semaphore(%run_scoped3A_40 : memref<!tpu.dma_semaphore, #tpu.memory_space<semaphore_mem>>)
      %dma_wait3A = arith.constant 0 : i32
      %dma_wait3A_45 = tpu.memref_slice %arg13[%mul3A_4, %dma_wait3A] : memref<10112x128xf32, #tpu.memory_space<vmem_shared>> -> memref<632x128xf32, #tpu.memory_space<vmem_shared>>
      %dma_wait3A_46 = arith.constant 0 : i32
      %dma_wait3A_47 = tpu.memref_slice %arg4[%mul3A_2, %dma_wait3A_46] : memref<10112x128xf32, #tpu.memory_space<hbm>> -> memref<632x128xf32, #tpu.memory_space<hbm>>
      tpu.wait_dma2 semaphore(%run_scoped3A_40 : memref<!tpu.dma_semaphore, #tpu.memory_space<semaphore_mem>>) src(%dma_wait3A_47 : memref<632x128xf32, #tpu.memory_space<hbm>>) dst(%dma_wait3A_45 : memref<632x128xf32, #tpu.memory_space<vmem_shared>>)
      tpu.yield
    }) : () -> ()
    %mul3A_5 = arith.constant 632 : i32
    %mul3A_6 = arith.muli %arg1, %mul3A_5 : i32
    %mul3A_7 = arith.constant 632 : i32
    %mul3A_8 = arith.muli %arg1, %mul3A_7 : i32
    "tpu.region"() ({
      %run_scoped3A_40 = tpu.sem_alloc : memref<!tpu.dma_semaphore, #tpu.memory_space<semaphore_mem>>
      %dma_start3A_41 = arith.constant 0 : i32
      %dma_start3A_42 = tpu.memref_slice %arg19[%mul3A_8, %dma_start3A_41] : memref<10112x16xf32, #tpu.memory_space<vmem_shared>> -> memref<632x16xf32, #tpu.memory_space<vmem_shared>>
      %dma_start3A_43 = arith.constant 0 : i32
      %dma_start3A_44 = tpu.memref_slice %arg5[%mul3A_6, %dma_start3A_43] : memref<10112x16xf32, #tpu.memory_space<hbm>> -> memref<632x16xf32, #tpu.memory_space<hbm>>
      tpu.enqueue_dma source(%dma_start3A_44 : memref<632x16xf32, #tpu.memory_space<hbm>>) target(%dma_start3A_42 : memref<632x16xf32, #tpu.memory_space<vmem_shared>>) target_semaphore(%run_scoped3A_40 : memref<!tpu.dma_semaphore, #tpu.memory_space<semaphore_mem>>)
      %dma_wait3A = arith.constant 0 : i32
      %dma_wait3A_45 = tpu.memref_slice %arg19[%mul3A_8, %dma_wait3A] : memref<10112x16xf32, #tpu.memory_space<vmem_shared>> -> memref<632x16xf32, #tpu.memory_space<vmem_shared>>
      %dma_wait3A_46 = arith.constant 0 : i32
      %dma_wait3A_47 = tpu.memref_slice %arg5[%mul3A_6, %dma_wait3A_46] : memref<10112x16xf32, #tpu.memory_space<hbm>> -> memref<632x16xf32, #tpu.memory_space<hbm>>
      tpu.wait_dma2 semaphore(%run_scoped3A_40 : memref<!tpu.dma_semaphore, #tpu.memory_space<semaphore_mem>>) src(%dma_wait3A_47 : memref<632x16xf32, #tpu.memory_space<hbm>>) dst(%dma_wait3A_45 : memref<632x16xf32, #tpu.memory_space<vmem_shared>>)
      tpu.yield
    }) : () -> ()
    "tpu.region"() ({
      %run_scoped3A_40 = tpu.sem_alloc : memref<!tpu.dma_semaphore, #tpu.memory_space<semaphore_mem>>
      tpu.enqueue_dma source(%arg6 : memref<125x16xf32, #tpu.memory_space<hbm>>) target(%arg18 : memref<125x16xf32, #tpu.memory_space<vmem>>) target_semaphore(%run_scoped3A_40 : memref<!tpu.dma_semaphore, #tpu.memory_space<semaphore_mem>>)
      tpu.wait_dma2 semaphore(%run_scoped3A_40 : memref<!tpu.dma_semaphore, #tpu.memory_space<semaphore_mem>>) src(%arg6 : memref<125x16xf32, #tpu.memory_space<hbm>>) dst(%arg18 : memref<125x16xf32, #tpu.memory_space<vmem>>)
      tpu.yield
    }) : () -> ()
    %barrier3A = arith.constant 0 : index
    tpu.barrier barrier_id(%barrier3A)
    %run_scoped3A = arith.constant 0 : i32
    %run_scoped3A_9 = arith.constant 0 : i32
    %run_scoped3A_10 = arith.constant 0 : i32
    "tpu.region"() ({
      %run_scoped3A_40 = tpu.sem_alloc : memref<!tpu.dma_semaphore, #tpu.memory_space<semaphore_mem>>
      %dma_start3A_41 = arith.constant 0 : i32
      %dma_start3A_42 = tpu.memref_slice %arg9[%run_scoped3A_10, %dma_start3A_41] : memref<2x125xi32, #tpu.memory_space<vmem>> -> memref<1x125xi32, #tpu.memory_space<vmem>>
      %dma_start3A_43 = tpu.memref_squeeze %dma_start3A_42 : memref<1x125xi32, #tpu.memory_space<vmem>> -> memref<125xi32, #tpu.memory_space<vmem>>
      %dma_start3A_44 = arith.constant 0 : i32
      %dma_start3A_45 = tpu.memref_slice %arg3[%run_scoped3A, %add3A, %run_scoped3A_9, %dma_start3A_44] : memref<2x32x80x125xi32, #tpu.memory_space<hbm>> -> memref<1x1x1x125xi32, #tpu.memory_space<hbm>>
      %dma_start3A_46 = tpu.memref_squeeze %dma_start3A_45 : memref<1x1x1x125xi32, #tpu.memory_space<hbm>> -> memref<125xi32, #tpu.memory_space<hbm>>
      %dma_start3A_47 = arith.constant 0 : i32
      %dma_start3A_48 = tpu.memref_slice %arg9[%run_scoped3A_10, %dma_start3A_47] : memref<2x125xi32, #tpu.memory_space<vmem>> -> memref<1x125xi32, #tpu.memory_space<vmem>>
      %dma_start3A_49 = tpu.memref_squeeze %dma_start3A_48 : memref<1x125xi32, #tpu.memory_space<vmem>> -> memref<125xi32, #tpu.memory_space<vmem>>
      %dma_start3A_50 = arith.constant 0 : i32
      %dma_start3A_51 = tpu.memref_slice %arg3[%run_scoped3A, %add3A, %run_scoped3A_9, %dma_start3A_50] : memref<2x32x80x125xi32, #tpu.memory_space<hbm>> -> memref<1x1x1x125xi32, #tpu.memory_space<hbm>>
      %dma_start3A_52 = tpu.memref_squeeze %dma_start3A_51 : memref<1x1x1x125xi32, #tpu.memory_space<hbm>> -> memref<125xi32, #tpu.memory_space<hbm>>
      tpu.enqueue_dma source(%dma_start3A_52 : memref<125xi32, #tpu.memory_space<hbm>>) target(%dma_start3A_49 : memref<125xi32, #tpu.memory_space<vmem>>) target_semaphore(%run_scoped3A_40 : memref<!tpu.dma_semaphore, #tpu.memory_space<semaphore_mem>>)
      %dma_wait3A = arith.constant 0 : i32
      %dma_wait3A_53 = tpu.memref_slice %arg9[%run_scoped3A_10, %dma_wait3A] : memref<2x125xi32, #tpu.memory_space<vmem>> -> memref<1x125xi32, #tpu.memory_space<vmem>>
      %dma_wait3A_54 = tpu.memref_squeeze %dma_wait3A_53 : memref<1x125xi32, #tpu.memory_space<vmem>> -> memref<125xi32, #tpu.memory_space<vmem>>
      %dma_wait3A_55 = arith.constant 0 : i32
      %dma_wait3A_56 = tpu.memref_slice %arg3[%run_scoped3A, %add3A, %run_scoped3A_9, %dma_wait3A_55] : memref<2x32x80x125xi32, #tpu.memory_space<hbm>> -> memref<1x1x1x125xi32, #tpu.memory_space<hbm>>
      %dma_wait3A_57 = tpu.memref_squeeze %dma_wait3A_56 : memref<1x1x1x125xi32, #tpu.memory_space<hbm>> -> memref<125xi32, #tpu.memory_space<hbm>>
      %dma_wait3A_58 = arith.constant 0 : i32
      %dma_wait3A_59 = tpu.memref_slice %arg9[%run_scoped3A_10, %dma_wait3A_58] : memref<2x125xi32, #tpu.memory_space<vmem>> -> memref<1x125xi32, #tpu.memory_space<vmem>>
      %dma_wait3A_60 = tpu.memref_squeeze %dma_wait3A_59 : memref<1x125xi32, #tpu.memory_space<vmem>> -> memref<125xi32, #tpu.memory_space<vmem>>
      %dma_wait3A_61 = arith.constant 0 : i32
      %dma_wait3A_62 = tpu.memref_slice %arg3[%run_scoped3A, %add3A, %run_scoped3A_9, %dma_wait3A_61] : memref<2x32x80x125xi32, #tpu.memory_space<hbm>> -> memref<1x1x1x125xi32, #tpu.memory_space<hbm>>
      %dma_wait3A_63 = tpu.memref_squeeze %dma_wait3A_62 : memref<1x1x1x125xi32, #tpu.memory_space<hbm>> -> memref<125xi32, #tpu.memory_space<hbm>>
      tpu.wait_dma2 semaphore(%run_scoped3A_40 : memref<!tpu.dma_semaphore, #tpu.memory_space<semaphore_mem>>) src(%dma_wait3A_63 : memref<125xi32, #tpu.memory_space<hbm>>) dst(%dma_wait3A_60 : memref<125xi32, #tpu.memory_space<vmem>>)
      tpu.yield
    }) : () -> ()
    %run_scoped3A_11 = arith.constant 1 : i32
    %run_scoped3A_12 = arith.constant 0 : i32
    %run_scoped3A_13 = arith.constant 1 : i32
    "tpu.region"() ({
      %run_scoped3A_40 = tpu.sem_alloc : memref<!tpu.dma_semaphore, #tpu.memory_space<semaphore_mem>>
      %dma_start3A_41 = arith.constant 0 : i32
      %dma_start3A_42 = tpu.memref_slice %arg9[%run_scoped3A_13, %dma_start3A_41] : memref<2x125xi32, #tpu.memory_space<vmem>> -> memref<1x125xi32, #tpu.memory_space<vmem>>
      %dma_start3A_43 = tpu.memref_squeeze %dma_start3A_42 : memref<1x125xi32, #tpu.memory_space<vmem>> -> memref<125xi32, #tpu.memory_space<vmem>>
      %dma_start3A_44 = arith.constant 0 : i32
      %dma_start3A_45 = tpu.memref_slice %arg3[%run_scoped3A_11, %add3A, %run_scoped3A_12, %dma_start3A_44] : memref<2x32x80x125xi32, #tpu.memory_space<hbm>> -> memref<1x1x1x125xi32, #tpu.memory_space<hbm>>
      %dma_start3A_46 = tpu.memref_squeeze %dma_start3A_45 : memref<1x1x1x125xi32, #tpu.memory_space<hbm>> -> memref<125xi32, #tpu.memory_space<hbm>>
      %dma_start3A_47 = arith.constant 0 : i32
      %dma_start3A_48 = tpu.memref_slice %arg9[%run_scoped3A_13, %dma_start3A_47] : memref<2x125xi32, #tpu.memory_space<vmem>> -> memref<1x125xi32, #tpu.memory_space<vmem>>
      %dma_start3A_49 = tpu.memref_squeeze %dma_start3A_48 : memref<1x125xi32, #tpu.memory_space<vmem>> -> memref<125xi32, #tpu.memory_space<vmem>>
      %dma_start3A_50 = arith.constant 0 : i32
      %dma_start3A_51 = tpu.memref_slice %arg3[%run_scoped3A_11, %add3A, %run_scoped3A_12, %dma_start3A_50] : memref<2x32x80x125xi32, #tpu.memory_space<hbm>> -> memref<1x1x1x125xi32, #tpu.memory_space<hbm>>
      %dma_start3A_52 = tpu.memref_squeeze %dma_start3A_51 : memref<1x1x1x125xi32, #tpu.memory_space<hbm>> -> memref<125xi32, #tpu.memory_space<hbm>>
      tpu.enqueue_dma source(%dma_start3A_52 : memref<125xi32, #tpu.memory_space<hbm>>) target(%dma_start3A_49 : memref<125xi32, #tpu.memory_space<vmem>>) target_semaphore(%run_scoped3A_40 : memref<!tpu.dma_semaphore, #tpu.memory_space<semaphore_mem>>)
      %dma_wait3A = arith.constant 0 : i32
      %dma_wait3A_53 = tpu.memref_slice %arg9[%run_scoped3A_13, %dma_wait3A] : memref<2x125xi32, #tpu.memory_space<vmem>> -> memref<1x125xi32, #tpu.memory_space<vmem>>
      %dma_wait3A_54 = tpu.memref_squeeze %dma_wait3A_53 : memref<1x125xi32, #tpu.memory_space<vmem>> -> memref<125xi32, #tpu.memory_space<vmem>>
      %dma_wait3A_55 = arith.constant 0 : i32
      %dma_wait3A_56 = tpu.memref_slice %arg3[%run_scoped3A_11, %add3A, %run_scoped3A_12, %dma_wait3A_55] : memref<2x32x80x125xi32, #tpu.memory_space<hbm>> -> memref<1x1x1x125xi32, #tpu.memory_space<hbm>>
      %dma_wait3A_57 = tpu.memref_squeeze %dma_wait3A_56 : memref<1x1x1x125xi32, #tpu.memory_space<hbm>> -> memref<125xi32, #tpu.memory_space<hbm>>
      %dma_wait3A_58 = arith.constant 0 : i32
      %dma_wait3A_59 = tpu.memref_slice %arg9[%run_scoped3A_13, %dma_wait3A_58] : memref<2x125xi32, #tpu.memory_space<vmem>> -> memref<1x125xi32, #tpu.memory_space<vmem>>
      %dma_wait3A_60 = tpu.memref_squeeze %dma_wait3A_59 : memref<1x125xi32, #tpu.memory_space<vmem>> -> memref<125xi32, #tpu.memory_space<vmem>>
      %dma_wait3A_61 = arith.constant 0 : i32
      %dma_wait3A_62 = tpu.memref_slice %arg3[%run_scoped3A_11, %add3A, %run_scoped3A_12, %dma_wait3A_61] : memref<2x32x80x125xi32, #tpu.memory_space<hbm>> -> memref<1x1x1x125xi32, #tpu.memory_space<hbm>>
      %dma_wait3A_63 = tpu.memref_squeeze %dma_wait3A_62 : memref<1x1x1x125xi32, #tpu.memory_space<hbm>> -> memref<125xi32, #tpu.memory_space<hbm>>
      tpu.wait_dma2 semaphore(%run_scoped3A_40 : memref<!tpu.dma_semaphore, #tpu.memory_space<semaphore_mem>>) src(%dma_wait3A_63 : memref<125xi32, #tpu.memory_space<hbm>>) dst(%dma_wait3A_60 : memref<125xi32, #tpu.memory_space<vmem>>)
      tpu.yield
    }) : () -> ()
    %dma_start3A = arith.constant 0 : i32
    %dma_start3A_14 = arith.constant 0 : i32
    %dma_start3A_15 = tpu.memref_slice %arg9[%dma_start3A, %dma_start3A_14] : memref<2x125xi32, #tpu.memory_space<vmem>> -> memref<1x125xi32, #tpu.memory_space<vmem>>
    %dma_start3A_16 = tpu.memref_squeeze %dma_start3A_15 : memref<1x125xi32, #tpu.memory_space<vmem>> -> memref<125xi32, #tpu.memory_space<vmem>>
    %dma_start3A_17 = arith.constant 0 : i32
    %dma_start3A_18 = arith.constant 0 : i32
    %dma_start3A_19 = tpu.memref_slice %arg2[%dma_start3A_17, %dma_start3A_18] : memref<10000x128xf32, #tpu.memory_space<hbm>> -> memref<10000x128xf32, #tpu.memory_space<hbm>>
    tpu.enqueue_indirect_dma source(%dma_start3A_19 : memref<10000x128xf32, #tpu.memory_space<hbm>>) target(%arg11 : memref<125x128xf32, #tpu.memory_space<vmem>>) offsets(%dma_start3A_16 : memref<125xi32, #tpu.memory_space<vmem>>) semaphore(%arg14 : memref<!tpu.dma_semaphore, #tpu.memory_space<semaphore_mem>>)
    %run_scoped3A_20 = arith.constant 0 : i32
    %run_scoped3A_21 = arith.constant 1 : i32
    %run_scoped3A_22 = arith.constant 0 : i32
    "tpu.region"() ({
      %run_scoped3A_40 = tpu.sem_alloc : memref<!tpu.dma_semaphore, #tpu.memory_space<semaphore_mem>>
      %dma_start3A_41 = arith.constant 0 : i32
      %dma_start3A_42 = tpu.memref_slice %arg10[%run_scoped3A_22, %dma_start3A_41] : memref<2x125xi32, #tpu.memory_space<vmem>> -> memref<1x125xi32, #tpu.memory_space<vmem>>
      %dma_start3A_43 = tpu.memref_squeeze %dma_start3A_42 : memref<1x125xi32, #tpu.memory_space<vmem>> -> memref<125xi32, #tpu.memory_space<vmem>>
      %dma_start3A_44 = arith.constant 0 : i32
      %dma_start3A_45 = tpu.memref_slice %arg3[%run_scoped3A_20, %add3A, %run_scoped3A_21, %dma_start3A_44] : memref<2x32x80x125xi32, #tpu.memory_space<hbm>> -> memref<1x1x1x125xi32, #tpu.memory_space<hbm>>
      %dma_start3A_46 = tpu.memref_squeeze %dma_start3A_45 : memref<1x1x1x125xi32, #tpu.memory_space<hbm>> -> memref<125xi32, #tpu.memory_space<hbm>>
      %dma_start3A_47 = arith.constant 0 : i32
      %dma_start3A_48 = tpu.memref_slice %arg10[%run_scoped3A_22, %dma_start3A_47] : memref<2x125xi32, #tpu.memory_space<vmem>> -> memref<1x125xi32, #tpu.memory_space<vmem>>
      %dma_start3A_49 = tpu.memref_squeeze %dma_start3A_48 : memref<1x125xi32, #tpu.memory_space<vmem>> -> memref<125xi32, #tpu.memory_space<vmem>>
      %dma_start3A_50 = arith.constant 0 : i32
      %dma_start3A_51 = tpu.memref_slice %arg3[%run_scoped3A_20, %add3A, %run_scoped3A_21, %dma_start3A_50] : memref<2x32x80x125xi32, #tpu.memory_space<hbm>> -> memref<1x1x1x125xi32, #tpu.memory_space<hbm>>
      %dma_start3A_52 = tpu.memref_squeeze %dma_start3A_51 : memref<1x1x1x125xi32, #tpu.memory_space<hbm>> -> memref<125xi32, #tpu.memory_space<hbm>>
      tpu.enqueue_dma source(%dma_start3A_52 : memref<125xi32, #tpu.memory_space<hbm>>) target(%dma_start3A_49 : memref<125xi32, #tpu.memory_space<vmem>>) target_semaphore(%run_scoped3A_40 : memref<!tpu.dma_semaphore, #tpu.memory_space<semaphore_mem>>)
      %dma_wait3A = arith.constant 0 : i32
      %dma_wait3A_53 = tpu.memref_slice %arg10[%run_scoped3A_22, %dma_wait3A] : memref<2x125xi32, #tpu.memory_space<vmem>> -> memref<1x125xi32, #tpu.memory_space<vmem>>
      %dma_wait3A_54 = tpu.memref_squeeze %dma_wait3A_53 : memref<1x125xi32, #tpu.memory_space<vmem>> -> memref<125xi32, #tpu.memory_space<vmem>>
      %dma_wait3A_55 = arith.constant 0 : i32
      %dma_wait3A_56 = tpu.memref_slice %arg3[%run_scoped3A_20, %add3A, %run_scoped3A_21, %dma_wait3A_55] : memref<2x32x80x125xi32, #tpu.memory_space<hbm>> -> memref<1x1x1x125xi32, #tpu.memory_space<hbm>>
      %dma_wait3A_57 = tpu.memref_squeeze %dma_wait3A_56 : memref<1x1x1x125xi32, #tpu.memory_space<hbm>> -> memref<125xi32, #tpu.memory_space<hbm>>
      %dma_wait3A_58 = arith.constant 0 : i32
      %dma_wait3A_59 = tpu.memref_slice %arg10[%run_scoped3A_22, %dma_wait3A_58] : memref<2x125xi32, #tpu.memory_space<vmem>> -> memref<1x125xi32, #tpu.memory_space<vmem>>
      %dma_wait3A_60 = tpu.memref_squeeze %dma_wait3A_59 : memref<1x125xi32, #tpu.memory_space<vmem>> -> memref<125xi32, #tpu.memory_space<vmem>>
      %dma_wait3A_61 = arith.constant 0 : i32
      %dma_wait3A_62 = tpu.memref_slice %arg3[%run_scoped3A_20, %add3A, %run_scoped3A_21, %dma_wait3A_61] : memref<2x32x80x125xi32, #tpu.memory_space<hbm>> -> memref<1x1x1x125xi32, #tpu.memory_space<hbm>>
      %dma_wait3A_63 = tpu.memref_squeeze %dma_wait3A_62 : memref<1x1x1x125xi32, #tpu.memory_space<hbm>> -> memref<125xi32, #tpu.memory_space<hbm>>
      tpu.wait_dma2 semaphore(%run_scoped3A_40 : memref<!tpu.dma_semaphore, #tpu.memory_space<semaphore_mem>>) src(%dma_wait3A_63 : memref<125xi32, #tpu.memory_space<hbm>>) dst(%dma_wait3A_60 : memref<125xi32, #tpu.memory_space<vmem>>)
      tpu.yield
    }) : () -> ()
    %run_scoped3A_23 = arith.constant 1 : i32
    %run_scoped3A_24 = arith.constant 1 : i32
    %run_scoped3A_25 = arith.constant 1 : i32
    "tpu.region"() ({
      %run_scoped3A_40 = tpu.sem_alloc : memref<!tpu.dma_semaphore, #tpu.memory_space<semaphore_mem>>
      %dma_start3A_41 = arith.constant 0 : i32
      %dma_start3A_42 = tpu.memref_slice %arg10[%run_scoped3A_25, %dma_start3A_41] : memref<2x125xi32, #tpu.memory_space<vmem>> -> memref<1x125xi32, #tpu.memory_space<vmem>>
      %dma_start3A_43 = tpu.memref_squeeze %dma_start3A_42 : memref<1x125xi32, #tpu.memory_space<vmem>> -> memref<125xi32, #tpu.memory_space<vmem>>
      %dma_start3A_44 = arith.constant 0 : i32
      %dma_start3A_45 = tpu.memref_slice %arg3[%run_scoped3A_23, %add3A, %run_scoped3A_24, %dma_start3A_44] : memref<2x32x80x125xi32, #tpu.memory_space<hbm>> -> memref<1x1x1x125xi32, #tpu.memory_space<hbm>>
      %dma_start3A_46 = tpu.memref_squeeze %dma_start3A_45 : memref<1x1x1x125xi32, #tpu.memory_space<hbm>> -> memref<125xi32, #tpu.memory_space<hbm>>
      %dma_start3A_47 = arith.constant 0 : i32
      %dma_start3A_48 = tpu.memref_slice %arg10[%run_scoped3A_25, %dma_start3A_47] : memref<2x125xi32, #tpu.memory_space<vmem>> -> memref<1x125xi32, #tpu.memory_space<vmem>>
      %dma_start3A_49 = tpu.memref_squeeze %dma_start3A_48 : memref<1x125xi32, #tpu.memory_space<vmem>> -> memref<125xi32, #tpu.memory_space<vmem>>
      %dma_start3A_50 = arith.constant 0 : i32
      %dma_start3A_51 = tpu.memref_slice %arg3[%run_scoped3A_23, %add3A, %run_scoped3A_24, %dma_start3A_50] : memref<2x32x80x125xi32, #tpu.memory_space<hbm>> -> memref<1x1x1x125xi32, #tpu.memory_space<hbm>>
      %dma_start3A_52 = tpu.memref_squeeze %dma_start3A_51 : memref<1x1x1x125xi32, #tpu.memory_space<hbm>> -> memref<125xi32, #tpu.memory_space<hbm>>
      tpu.enqueue_dma source(%dma_start3A_52 : memref<125xi32, #tpu.memory_space<hbm>>) target(%dma_start3A_49 : memref<125xi32, #tpu.memory_space<vmem>>) target_semaphore(%run_scoped3A_40 : memref<!tpu.dma_semaphore, #tpu.memory_space<semaphore_mem>>)
      %dma_wait3A = arith.constant 0 : i32
      %dma_wait3A_53 = tpu.memref_slice %arg10[%run_scoped3A_25, %dma_wait3A] : memref<2x125xi32, #tpu.memory_space<vmem>> -> memref<1x125xi32, #tpu.memory_space<vmem>>
      %dma_wait3A_54 = tpu.memref_squeeze %dma_wait3A_53 : memref<1x125xi32, #tpu.memory_space<vmem>> -> memref<125xi32, #tpu.memory_space<vmem>>
      %dma_wait3A_55 = arith.constant 0 : i32
      %dma_wait3A_56 = tpu.memref_slice %arg3[%run_scoped3A_23, %add3A, %run_scoped3A_24, %dma_wait3A_55] : memref<2x32x80x125xi32, #tpu.memory_space<hbm>> -> memref<1x1x1x125xi32, #tpu.memory_space<hbm>>
      %dma_wait3A_57 = tpu.memref_squeeze %dma_wait3A_56 : memref<1x1x1x125xi32, #tpu.memory_space<hbm>> -> memref<125xi32, #tpu.memory_space<hbm>>
      %dma_wait3A_58 = arith.constant 0 : i32
      %dma_wait3A_59 = tpu.memref_slice %arg10[%run_scoped3A_25, %dma_wait3A_58] : memref<2x125xi32, #tpu.memory_space<vmem>> -> memref<1x125xi32, #tpu.memory_space<vmem>>
      %dma_wait3A_60 = tpu.memref_squeeze %dma_wait3A_59 : memref<1x125xi32, #tpu.memory_space<vmem>> -> memref<125xi32, #tpu.memory_space<vmem>>
      %dma_wait3A_61 = arith.constant 0 : i32
      %dma_wait3A_62 = tpu.memref_slice %arg3[%run_scoped3A_23, %add3A, %run_scoped3A_24, %dma_wait3A_61] : memref<2x32x80x125xi32, #tpu.memory_space<hbm>> -> memref<1x1x1x125xi32, #tpu.memory_space<hbm>>
      %dma_wait3A_63 = tpu.memref_squeeze %dma_wait3A_62 : memref<1x1x1x125xi32, #tpu.memory_space<hbm>> -> memref<125xi32, #tpu.memory_space<hbm>>
      tpu.wait_dma2 semaphore(%run_scoped3A_40 : memref<!tpu.dma_semaphore, #tpu.memory_space<semaphore_mem>>) src(%dma_wait3A_63 : memref<125xi32, #tpu.memory_space<hbm>>) dst(%dma_wait3A_60 : memref<125xi32, #tpu.memory_space<vmem>>)
      tpu.yield
    }) : () -> ()
    %scan3A = arith.constant 0 : i32
    %scan3A_26 = arith.constant 0 : i32
    %scan3A_27 = arith.constant 40 : i32
    %scan3A_28 = arith.addi %scan3A_26, %scan3A_27 : i32
    %scan3A_29 = arith.constant 1 : i32
    scf.for %scan3A_40 = %scan3A_26 to %scan3A_28 step %scan3A_29  : i32 {
      %mul3A_41 = arith.constant 2 : i32
      %mul3A_42 = arith.muli %mul3A_41, %scan3A_40 : i32
      tpu.wait_dma2 semaphore(%arg14 : memref<!tpu.dma_semaphore, #tpu.memory_space<semaphore_mem>>) src(%arg2 : memref<10000x128xf32, #tpu.memory_space<hbm>>) dst(%arg11 : memref<125x128xf32, #tpu.memory_space<vmem>>)
      %dma_start3A_43 = arith.constant 0 : i32
      %dma_start3A_44 = arith.constant 0 : i32
      %dma_start3A_45 = tpu.memref_slice %arg10[%dma_start3A_43, %dma_start3A_44] : memref<2x125xi32, #tpu.memory_space<vmem>> -> memref<1x125xi32, #tpu.memory_space<vmem>>
      %dma_start3A_46 = tpu.memref_squeeze %dma_start3A_45 : memref<1x125xi32, #tpu.memory_space<vmem>> -> memref<125xi32, #tpu.memory_space<vmem>>
      %dma_start3A_47 = arith.constant 0 : i32
      %dma_start3A_48 = arith.constant 0 : i32
      %dma_start3A_49 = tpu.memref_slice %arg2[%dma_start3A_47, %dma_start3A_48] : memref<10000x128xf32, #tpu.memory_space<hbm>> -> memref<10000x128xf32, #tpu.memory_space<hbm>>
      tpu.enqueue_indirect_dma source(%dma_start3A_49 : memref<10000x128xf32, #tpu.memory_space<hbm>>) target(%arg12 : memref<125x128xf32, #tpu.memory_space<vmem>>) offsets(%dma_start3A_46 : memref<125xi32, #tpu.memory_space<vmem>>) semaphore(%arg15 : memref<!tpu.dma_semaphore, #tpu.memory_space<semaphore_mem>>)
      %dma_start3A_50 = arith.constant 1 : i32
      %dma_start3A_51 = arith.constant 0 : i32
      %dma_start3A_52 = tpu.memref_slice %arg9[%dma_start3A_50, %dma_start3A_51] : memref<2x125xi32, #tpu.memory_space<vmem>> -> memref<1x125xi32, #tpu.memory_space<vmem>>
      %dma_start3A_53 = tpu.memref_squeeze %dma_start3A_52 : memref<1x125xi32, #tpu.memory_space<vmem>> -> memref<125xi32, #tpu.memory_space<vmem>>
      %dma_start3A_54 = arith.constant 0 : i32
      %dma_start3A_55 = arith.constant 0 : i32
      %dma_start3A_56 = tpu.memref_slice %arg13[%dma_start3A_54, %dma_start3A_55] : memref<10112x128xf32, #tpu.memory_space<vmem_shared>> -> memref<10112x128xf32, #tpu.memory_space<vmem_shared>>
      tpu.enqueue_indirect_dma source(%arg11 : memref<125x128xf32, #tpu.memory_space<vmem>>) target(%dma_start3A_56 : memref<10112x128xf32, #tpu.memory_space<vmem_shared>>) offsets(%dma_start3A_53 : memref<125xi32, #tpu.memory_space<vmem>>) semaphore(%arg16 : memref<!tpu.dma_semaphore, #tpu.memory_space<semaphore_mem>>) {add = true}
      %dma_start3A_57 = arith.constant 1 : i32
      %dma_start3A_58 = arith.constant 0 : i32
      %dma_start3A_59 = tpu.memref_slice %arg9[%dma_start3A_57, %dma_start3A_58] : memref<2x125xi32, #tpu.memory_space<vmem>> -> memref<1x125xi32, #tpu.memory_space<vmem>>
      %dma_start3A_60 = tpu.memref_squeeze %dma_start3A_59 : memref<1x125xi32, #tpu.memory_space<vmem>> -> memref<125xi32, #tpu.memory_space<vmem>>
      %dma_start3A_61 = arith.constant 0 : i32
      %dma_start3A_62 = arith.constant 0 : i32
      %dma_start3A_63 = tpu.memref_slice %arg19[%dma_start3A_61, %dma_start3A_62] : memref<10112x16xf32, #tpu.memory_space<vmem_shared>> -> memref<10112x16xf32, #tpu.memory_space<vmem_shared>>
      tpu.enqueue_indirect_dma source(%arg18 : memref<125x16xf32, #tpu.memory_space<vmem>>) target(%dma_start3A_63 : memref<10112x16xf32, #tpu.memory_space<vmem_shared>>) offsets(%dma_start3A_60 : memref<125xi32, #tpu.memory_space<vmem>>) semaphore(%arg20 : memref<!tpu.dma_semaphore, #tpu.memory_space<semaphore_mem>>) {add = true}
      tpu.wait_dma2 semaphore(%arg15 : memref<!tpu.dma_semaphore, #tpu.memory_space<semaphore_mem>>) src(%arg2 : memref<10000x128xf32, #tpu.memory_space<hbm>>) dst(%arg12 : memref<125x128xf32, #tpu.memory_space<vmem>>)
      %dma_start3A_64 = arith.constant 1 : i32
      %dma_start3A_65 = arith.constant 0 : i32
      %dma_start3A_66 = tpu.memref_slice %arg10[%dma_start3A_64, %dma_start3A_65] : memref<2x125xi32, #tpu.memory_space<vmem>> -> memref<1x125xi32, #tpu.memory_space<vmem>>
      %dma_start3A_67 = tpu.memref_squeeze %dma_start3A_66 : memref<1x125xi32, #tpu.memory_space<vmem>> -> memref<125xi32, #tpu.memory_space<vmem>>
      %dma_start3A_68 = arith.constant 0 : i32
      %dma_start3A_69 = arith.constant 0 : i32
      %dma_start3A_70 = tpu.memref_slice %arg13[%dma_start3A_68, %dma_start3A_69] : memref<10112x128xf32, #tpu.memory_space<vmem_shared>> -> memref<10112x128xf32, #tpu.memory_space<vmem_shared>>
      tpu.enqueue_indirect_dma source(%arg12 : memref<125x128xf32, #tpu.memory_space<vmem>>) target(%dma_start3A_70 : memref<10112x128xf32, #tpu.memory_space<vmem_shared>>) offsets(%dma_start3A_67 : memref<125xi32, #tpu.memory_space<vmem>>) semaphore(%arg17 : memref<!tpu.dma_semaphore, #tpu.memory_space<semaphore_mem>>) {add = true}
      %dma_wait3A = arith.constant 1 : i32
      %dma_wait3A_71 = arith.constant 0 : i32
      %dma_wait3A_72 = tpu.memref_slice %arg9[%dma_wait3A, %dma_wait3A_71] : memref<2x125xi32, #tpu.memory_space<vmem>> -> memref<1x125xi32, #tpu.memory_space<vmem>>
      %dma_wait3A_73 = tpu.memref_squeeze %dma_wait3A_72 : memref<1x125xi32, #tpu.memory_space<vmem>> -> memref<125xi32, #tpu.memory_space<vmem>>
      %dma_wait3A_74 = arith.constant 0 : i32
      %dma_wait3A_75 = arith.constant 0 : i32
      %dma_wait3A_76 = tpu.memref_slice %arg13[%dma_wait3A_74, %dma_wait3A_75] : memref<10112x128xf32, #tpu.memory_space<vmem_shared>> -> memref<10112x128xf32, #tpu.memory_space<vmem_shared>>
      tpu.wait_indirect_dma semaphore(%arg16 : memref<!tpu.dma_semaphore, #tpu.memory_space<semaphore_mem>>) src(%arg11 : memref<125x128xf32, #tpu.memory_space<vmem>>) dst(%dma_wait3A_76 : memref<10112x128xf32, #tpu.memory_space<vmem_shared>>)
      %dma_wait3A_77 = arith.constant 1 : i32
      %dma_wait3A_78 = arith.constant 0 : i32
      %dma_wait3A_79 = tpu.memref_slice %arg9[%dma_wait3A_77, %dma_wait3A_78] : memref<2x125xi32, #tpu.memory_space<vmem>> -> memref<1x125xi32, #tpu.memory_space<vmem>>
      %dma_wait3A_80 = tpu.memref_squeeze %dma_wait3A_79 : memref<1x125xi32, #tpu.memory_space<vmem>> -> memref<125xi32, #tpu.memory_space<vmem>>
      %dma_wait3A_81 = arith.constant 0 : i32
      %dma_wait3A_82 = arith.constant 0 : i32
      %dma_wait3A_83 = tpu.memref_slice %arg19[%dma_wait3A_81, %dma_wait3A_82] : memref<10112x16xf32, #tpu.memory_space<vmem_shared>> -> memref<10112x16xf32, #tpu.memory_space<vmem_shared>>
      tpu.wait_indirect_dma semaphore(%arg20 : memref<!tpu.dma_semaphore, #tpu.memory_space<semaphore_mem>>) src(%arg18 : memref<125x16xf32, #tpu.memory_space<vmem>>) dst(%dma_wait3A_83 : memref<10112x16xf32, #tpu.memory_space<vmem_shared>>)
      %add3A_84 = arith.constant 2 : i32
      %add3A_85 = arith.addi %mul3A_42, %add3A_84 : i32
      %lt3A = arith.constant 80 : i32
      %lt3A_86 = arith.cmpi slt, %add3A_85, %lt3A : i32
      %convert_element_type3A = arith.extui %lt3A_86 : i1 to i32
      %cond3A = arith.constant 0 : i32
      %cond3A_87 = arith.cmpi ne, %convert_element_type3A, %cond3A : i32
      scf.if %cond3A_87 {
        %add3A_116 = arith.constant 2 : i32
        %add3A_117 = arith.addi %mul3A_42, %add3A_116 : i32
        %run_scoped3A_118 = arith.constant 0 : i32
        %run_scoped3A_119 = arith.constant 0 : i32
        "tpu.region"() ({
          %run_scoped3A_129 = tpu.sem_alloc : memref<!tpu.dma_semaphore, #tpu.memory_space<semaphore_mem>>
          %dma_start3A_130 = arith.constant 0 : i32
          %dma_start3A_131 = tpu.memref_slice %arg9[%run_scoped3A_119, %dma_start3A_130] : memref<2x125xi32, #tpu.memory_space<vmem>> -> memref<1x125xi32, #tpu.memory_space<vmem>>
          %dma_start3A_132 = tpu.memref_squeeze %dma_start3A_131 : memref<1x125xi32, #tpu.memory_space<vmem>> -> memref<125xi32, #tpu.memory_space<vmem>>
          %dma_start3A_133 = arith.constant 0 : i32
          %dma_start3A_134 = tpu.memref_slice %arg3[%run_scoped3A_118, %add3A, %add3A_117, %dma_start3A_133] : memref<2x32x80x125xi32, #tpu.memory_space<hbm>> -> memref<1x1x1x125xi32, #tpu.memory_space<hbm>>
          %dma_start3A_135 = tpu.memref_squeeze %dma_start3A_134 : memref<1x1x1x125xi32, #tpu.memory_space<hbm>> -> memref<125xi32, #tpu.memory_space<hbm>>
          %dma_start3A_136 = arith.constant 0 : i32
          %dma_start3A_137 = tpu.memref_slice %arg9[%run_scoped3A_119, %dma_start3A_136] : memref<2x125xi32, #tpu.memory_space<vmem>> -> memref<1x125xi32, #tpu.memory_space<vmem>>
          %dma_start3A_138 = tpu.memref_squeeze %dma_start3A_137 : memref<1x125xi32, #tpu.memory_space<vmem>> -> memref<125xi32, #tpu.memory_space<vmem>>
          %dma_start3A_139 = arith.constant 0 : i32
          %dma_start3A_140 = tpu.memref_slice %arg3[%run_scoped3A_118, %add3A, %add3A_117, %dma_start3A_139] : memref<2x32x80x125xi32, #tpu.memory_space<hbm>> -> memref<1x1x1x125xi32, #tpu.memory_space<hbm>>
          %dma_start3A_141 = tpu.memref_squeeze %dma_start3A_140 : memref<1x1x1x125xi32, #tpu.memory_space<hbm>> -> memref<125xi32, #tpu.memory_space<hbm>>
          tpu.enqueue_dma source(%dma_start3A_141 : memref<125xi32, #tpu.memory_space<hbm>>) target(%dma_start3A_138 : memref<125xi32, #tpu.memory_space<vmem>>) target_semaphore(%run_scoped3A_129 : memref<!tpu.dma_semaphore, #tpu.memory_space<semaphore_mem>>)
          %dma_wait3A_142 = arith.constant 0 : i32
          %dma_wait3A_143 = tpu.memref_slice %arg9[%run_scoped3A_119, %dma_wait3A_142] : memref<2x125xi32, #tpu.memory_space<vmem>> -> memref<1x125xi32, #tpu.memory_space<vmem>>
          %dma_wait3A_144 = tpu.memref_squeeze %dma_wait3A_143 : memref<1x125xi32, #tpu.memory_space<vmem>> -> memref<125xi32, #tpu.memory_space<vmem>>
          %dma_wait3A_145 = arith.constant 0 : i32
          %dma_wait3A_146 = tpu.memref_slice %arg3[%run_scoped3A_118, %add3A, %add3A_117, %dma_wait3A_145] : memref<2x32x80x125xi32, #tpu.memory_space<hbm>> -> memref<1x1x1x125xi32, #tpu.memory_space<hbm>>
          %dma_wait3A_147 = tpu.memref_squeeze %dma_wait3A_146 : memref<1x1x1x125xi32, #tpu.memory_space<hbm>> -> memref<125xi32, #tpu.memory_space<hbm>>
          %dma_wait3A_148 = arith.constant 0 : i32
          %dma_wait3A_149 = tpu.memref_slice %arg9[%run_scoped3A_119, %dma_wait3A_148] : memref<2x125xi32, #tpu.memory_space<vmem>> -> memref<1x125xi32, #tpu.memory_space<vmem>>
          %dma_wait3A_150 = tpu.memref_squeeze %dma_wait3A_149 : memref<1x125xi32, #tpu.memory_space<vmem>> -> memref<125xi32, #tpu.memory_space<vmem>>
          %dma_wait3A_151 = arith.constant 0 : i32
          %dma_wait3A_152 = tpu.memref_slice %arg3[%run_scoped3A_118, %add3A, %add3A_117, %dma_wait3A_151] : memref<2x32x80x125xi32, #tpu.memory_space<hbm>> -> memref<1x1x1x125xi32, #tpu.memory_space<hbm>>
          %dma_wait3A_153 = tpu.memref_squeeze %dma_wait3A_152 : memref<1x1x1x125xi32, #tpu.memory_space<hbm>> -> memref<125xi32, #tpu.memory_space<hbm>>
          tpu.wait_dma2 semaphore(%run_scoped3A_129 : memref<!tpu.dma_semaphore, #tpu.memory_space<semaphore_mem>>) src(%dma_wait3A_153 : memref<125xi32, #tpu.memory_space<hbm>>) dst(%dma_wait3A_150 : memref<125xi32, #tpu.memory_space<vmem>>)
          tpu.yield
        }) : () -> ()
        %run_scoped3A_120 = arith.constant 1 : i32
        %run_scoped3A_121 = arith.constant 1 : i32
        "tpu.region"() ({
          %run_scoped3A_129 = tpu.sem_alloc : memref<!tpu.dma_semaphore, #tpu.memory_space<semaphore_mem>>
          %dma_start3A_130 = arith.constant 0 : i32
          %dma_start3A_131 = tpu.memref_slice %arg9[%run_scoped3A_121, %dma_start3A_130] : memref<2x125xi32, #tpu.memory_space<vmem>> -> memref<1x125xi32, #tpu.memory_space<vmem>>
          %dma_start3A_132 = tpu.memref_squeeze %dma_start3A_131 : memref<1x125xi32, #tpu.memory_space<vmem>> -> memref<125xi32, #tpu.memory_space<vmem>>
          %dma_start3A_133 = arith.constant 0 : i32
          %dma_start3A_134 = tpu.memref_slice %arg3[%run_scoped3A_120, %add3A, %add3A_117, %dma_start3A_133] : memref<2x32x80x125xi32, #tpu.memory_space<hbm>> -> memref<1x1x1x125xi32, #tpu.memory_space<hbm>>
          %dma_start3A_135 = tpu.memref_squeeze %dma_start3A_134 : memref<1x1x1x125xi32, #tpu.memory_space<hbm>> -> memref<125xi32, #tpu.memory_space<hbm>>
          %dma_start3A_136 = arith.constant 0 : i32
          %dma_start3A_137 = tpu.memref_slice %arg9[%run_scoped3A_121, %dma_start3A_136] : memref<2x125xi32, #tpu.memory_space<vmem>> -> memref<1x125xi32, #tpu.memory_space<vmem>>
          %dma_start3A_138 = tpu.memref_squeeze %dma_start3A_137 : memref<1x125xi32, #tpu.memory_space<vmem>> -> memref<125xi32, #tpu.memory_space<vmem>>
          %dma_start3A_139 = arith.constant 0 : i32
          %dma_start3A_140 = tpu.memref_slice %arg3[%run_scoped3A_120, %add3A, %add3A_117, %dma_start3A_139] : memref<2x32x80x125xi32, #tpu.memory_space<hbm>> -> memref<1x1x1x125xi32, #tpu.memory_space<hbm>>
          %dma_start3A_141 = tpu.memref_squeeze %dma_start3A_140 : memref<1x1x1x125xi32, #tpu.memory_space<hbm>> -> memref<125xi32, #tpu.memory_space<hbm>>
          tpu.enqueue_dma source(%dma_start3A_141 : memref<125xi32, #tpu.memory_space<hbm>>) target(%dma_start3A_138 : memref<125xi32, #tpu.memory_space<vmem>>) target_semaphore(%run_scoped3A_129 : memref<!tpu.dma_semaphore, #tpu.memory_space<semaphore_mem>>)
          %dma_wait3A_142 = arith.constant 0 : i32
          %dma_wait3A_143 = tpu.memref_slice %arg9[%run_scoped3A_121, %dma_wait3A_142] : memref<2x125xi32, #tpu.memory_space<vmem>> -> memref<1x125xi32, #tpu.memory_space<vmem>>
          %dma_wait3A_144 = tpu.memref_squeeze %dma_wait3A_143 : memref<1x125xi32, #tpu.memory_space<vmem>> -> memref<125xi32, #tpu.memory_space<vmem>>
          %dma_wait3A_145 = arith.constant 0 : i32
          %dma_wait3A_146 = tpu.memref_slice %arg3[%run_scoped3A_120, %add3A, %add3A_117, %dma_wait3A_145] : memref<2x32x80x125xi32, #tpu.memory_space<hbm>> -> memref<1x1x1x125xi32, #tpu.memory_space<hbm>>
          %dma_wait3A_147 = tpu.memref_squeeze %dma_wait3A_146 : memref<1x1x1x125xi32, #tpu.memory_space<hbm>> -> memref<125xi32, #tpu.memory_space<hbm>>
          %dma_wait3A_148 = arith.constant 0 : i32
          %dma_wait3A_149 = tpu.memref_slice %arg9[%run_scoped3A_121, %dma_wait3A_148] : memref<2x125xi32, #tpu.memory_space<vmem>> -> memref<1x125xi32, #tpu.memory_space<vmem>>
          %dma_wait3A_150 = tpu.memref_squeeze %dma_wait3A_149 : memref<1x125xi32, #tpu.memory_space<vmem>> -> memref<125xi32, #tpu.memory_space<vmem>>
          %dma_wait3A_151 = arith.constant 0 : i32
          %dma_wait3A_152 = tpu.memref_slice %arg3[%run_scoped3A_120, %add3A, %add3A_117, %dma_wait3A_151] : memref<2x32x80x125xi32, #tpu.memory_space<hbm>> -> memref<1x1x1x125xi32, #tpu.memory_space<hbm>>
          %dma_wait3A_153 = tpu.memref_squeeze %dma_wait3A_152 : memref<1x1x1x125xi32, #tpu.memory_space<hbm>> -> memref<125xi32, #tpu.memory_space<hbm>>
          tpu.wait_dma2 semaphore(%run_scoped3A_129 : memref<!tpu.dma_semaphore, #tpu.memory_space<semaphore_mem>>) src(%dma_wait3A_153 : memref<125xi32, #tpu.memory_space<hbm>>) dst(%dma_wait3A_150 : memref<125xi32, #tpu.memory_space<vmem>>)
          tpu.yield
        }) : () -> ()
        %dma_start3A_122 = arith.constant 0 : i32
        %dma_start3A_123 = arith.constant 0 : i32
        %dma_start3A_124 = tpu.memref_slice %arg9[%dma_start3A_122, %dma_start3A_123] : memref<2x125xi32, #tpu.memory_space<vmem>> -> memref<1x125xi32, #tpu.memory_space<vmem>>
        %dma_start3A_125 = tpu.memref_squeeze %dma_start3A_124 : memref<1x125xi32, #tpu.memory_space<vmem>> -> memref<125xi32, #tpu.memory_space<vmem>>
        %dma_start3A_126 = arith.constant 0 : i32
        %dma_start3A_127 = arith.constant 0 : i32
        %dma_start3A_128 = tpu.memref_slice %arg2[%dma_start3A_126, %dma_start3A_127] : memref<10000x128xf32, #tpu.memory_space<hbm>> -> memref<10000x128xf32, #tpu.memory_space<hbm>>
        tpu.enqueue_indirect_dma source(%dma_start3A_128 : memref<10000x128xf32, #tpu.memory_space<hbm>>) target(%arg11 : memref<125x128xf32, #tpu.memory_space<vmem>>) offsets(%dma_start3A_125 : memref<125xi32, #tpu.memory_space<vmem>>) semaphore(%arg14 : memref<!tpu.dma_semaphore, #tpu.memory_space<semaphore_mem>>)
      } else {
      }
      %dma_wait3A_88 = arith.constant 1 : i32
      %dma_wait3A_89 = arith.constant 0 : i32
      %dma_wait3A_90 = tpu.memref_slice %arg10[%dma_wait3A_88, %dma_wait3A_89] : memref<2x125xi32, #tpu.memory_space<vmem>> -> memref<1x125xi32, #tpu.memory_space<vmem>>
      %dma_wait3A_91 = tpu.memref_squeeze %dma_wait3A_90 : memref<1x125xi32, #tpu.memory_space<vmem>> -> memref<125xi32, #tpu.memory_space<vmem>>
      %dma_wait3A_92 = arith.constant 0 : i32
      %dma_wait3A_93 = arith.constant 0 : i32
      %dma_wait3A_94 = tpu.memref_slice %arg13[%dma_wait3A_92, %dma_wait3A_93] : memref<10112x128xf32, #tpu.memory_space<vmem_shared>> -> memref<10112x128xf32, #tpu.memory_space<vmem_shared>>
      tpu.wait_indirect_dma semaphore(%arg17 : memref<!tpu.dma_semaphore, #tpu.memory_space<semaphore_mem>>) src(%arg12 : memref<125x128xf32, #tpu.memory_space<vmem>>) dst(%dma_wait3A_94 : memref<10112x128xf32, #tpu.memory_space<vmem_shared>>)
      %dma_start3A_95 = arith.constant 1 : i32
      %dma_start3A_96 = arith.constant 0 : i32
      %dma_start3A_97 = tpu.memref_slice %arg10[%dma_start3A_95, %dma_start3A_96] : memref<2x125xi32, #tpu.memory_space<vmem>> -> memref<1x125xi32, #tpu.memory_space<vmem>>
      %dma_start3A_98 = tpu.memref_squeeze %dma_start3A_97 : memref<1x125xi32, #tpu.memory_space<vmem>> -> memref<125xi32, #tpu.memory_space<vmem>>
      %dma_start3A_99 = arith.constant 0 : i32
      %dma_start3A_100 = arith.constant 0 : i32
      %dma_start3A_101 = tpu.memref_slice %arg19[%dma_start3A_99, %dma_start3A_100] : memref<10112x16xf32, #tpu.memory_space<vmem_shared>> -> memref<10112x16xf32, #tpu.memory_space<vmem_shared>>
      tpu.enqueue_indirect_dma source(%arg18 : memref<125x16xf32, #tpu.memory_space<vmem>>) target(%dma_start3A_101 : memref<10112x16xf32, #tpu.memory_space<vmem_shared>>) offsets(%dma_start3A_98 : memref<125xi32, #tpu.memory_space<vmem>>) semaphore(%arg20 : memref<!tpu.dma_semaphore, #tpu.memory_space<semaphore_mem>>) {add = true}
      %dma_wait3A_102 = arith.constant 1 : i32
      %dma_wait3A_103 = arith.constant 0 : i32
      %dma_wait3A_104 = tpu.memref_slice %arg10[%dma_wait3A_102, %dma_wait3A_103] : memref<2x125xi32, #tpu.memory_space<vmem>> -> memref<1x125xi32, #tpu.memory_space<vmem>>
      %dma_wait3A_105 = tpu.memref_squeeze %dma_wait3A_104 : memref<1x125xi32, #tpu.memory_space<vmem>> -> memref<125xi32, #tpu.memory_space<vmem>>
      %dma_wait3A_106 = arith.constant 0 : i32
      %dma_wait3A_107 = arith.constant 0 : i32
      %dma_wait3A_108 = tpu.memref_slice %arg19[%dma_wait3A_106, %dma_wait3A_107] : memref<10112x16xf32, #tpu.memory_space<vmem_shared>> -> memref<10112x16xf32, #tpu.memory_space<vmem_shared>>
      tpu.wait_indirect_dma semaphore(%arg20 : memref<!tpu.dma_semaphore, #tpu.memory_space<semaphore_mem>>) src(%arg18 : memref<125x16xf32, #tpu.memory_space<vmem>>) dst(%dma_wait3A_108 : memref<10112x16xf32, #tpu.memory_space<vmem_shared>>)
      %add3A_109 = arith.constant 3 : i32
      %add3A_110 = arith.addi %mul3A_42, %add3A_109 : i32
      %lt3A_111 = arith.constant 80 : i32
      %lt3A_112 = arith.cmpi slt, %add3A_110, %lt3A_111 : i32
      %convert_element_type3A_113 = arith.extui %lt3A_112 : i1 to i32
      %cond3A_114 = arith.constant 0 : i32
      %cond3A_115 = arith.cmpi ne, %convert_element_type3A_113, %cond3A_114 : i32
      scf.if %cond3A_115 {
        %add3A_116 = arith.constant 3 : i32
        %add3A_117 = arith.addi %mul3A_42, %add3A_116 : i32
        %run_scoped3A_118 = arith.constant 0 : i32
        %run_scoped3A_119 = arith.constant 0 : i32
        "tpu.region"() ({
          %run_scoped3A_122 = tpu.sem_alloc : memref<!tpu.dma_semaphore, #tpu.memory_space<semaphore_mem>>
          %dma_start3A_123 = arith.constant 0 : i32
          %dma_start3A_124 = tpu.memref_slice %arg10[%run_scoped3A_119, %dma_start3A_123] : memref<2x125xi32, #tpu.memory_space<vmem>> -> memref<1x125xi32, #tpu.memory_space<vmem>>
          %dma_start3A_125 = tpu.memref_squeeze %dma_start3A_124 : memref<1x125xi32, #tpu.memory_space<vmem>> -> memref<125xi32, #tpu.memory_space<vmem>>
          %dma_start3A_126 = arith.constant 0 : i32
          %dma_start3A_127 = tpu.memref_slice %arg3[%run_scoped3A_118, %add3A, %add3A_117, %dma_start3A_126] : memref<2x32x80x125xi32, #tpu.memory_space<hbm>> -> memref<1x1x1x125xi32, #tpu.memory_space<hbm>>
          %dma_start3A_128 = tpu.memref_squeeze %dma_start3A_127 : memref<1x1x1x125xi32, #tpu.memory_space<hbm>> -> memref<125xi32, #tpu.memory_space<hbm>>
          %dma_start3A_129 = arith.constant 0 : i32
          %dma_start3A_130 = tpu.memref_slice %arg10[%run_scoped3A_119, %dma_start3A_129] : memref<2x125xi32, #tpu.memory_space<vmem>> -> memref<1x125xi32, #tpu.memory_space<vmem>>
          %dma_start3A_131 = tpu.memref_squeeze %dma_start3A_130 : memref<1x125xi32, #tpu.memory_space<vmem>> -> memref<125xi32, #tpu.memory_space<vmem>>
          %dma_start3A_132 = arith.constant 0 : i32
          %dma_start3A_133 = tpu.memref_slice %arg3[%run_scoped3A_118, %add3A, %add3A_117, %dma_start3A_132] : memref<2x32x80x125xi32, #tpu.memory_space<hbm>> -> memref<1x1x1x125xi32, #tpu.memory_space<hbm>>
          %dma_start3A_134 = tpu.memref_squeeze %dma_start3A_133 : memref<1x1x1x125xi32, #tpu.memory_space<hbm>> -> memref<125xi32, #tpu.memory_space<hbm>>
          tpu.enqueue_dma source(%dma_start3A_134 : memref<125xi32, #tpu.memory_space<hbm>>) target(%dma_start3A_131 : memref<125xi32, #tpu.memory_space<vmem>>) target_semaphore(%run_scoped3A_122 : memref<!tpu.dma_semaphore, #tpu.memory_space<semaphore_mem>>)
          %dma_wait3A_135 = arith.constant 0 : i32
          %dma_wait3A_136 = tpu.memref_slice %arg10[%run_scoped3A_119, %dma_wait3A_135] : memref<2x125xi32, #tpu.memory_space<vmem>> -> memref<1x125xi32, #tpu.memory_space<vmem>>
          %dma_wait3A_137 = tpu.memref_squeeze %dma_wait3A_136 : memref<1x125xi32, #tpu.memory_space<vmem>> -> memref<125xi32, #tpu.memory_space<vmem>>
          %dma_wait3A_138 = arith.constant 0 : i32
          %dma_wait3A_139 = tpu.memref_slice %arg3[%run_scoped3A_118, %add3A, %add3A_117, %dma_wait3A_138] : memref<2x32x80x125xi32, #tpu.memory_space<hbm>> -> memref<1x1x1x125xi32, #tpu.memory_space<hbm>>
          %dma_wait3A_140 = tpu.memref_squeeze %dma_wait3A_139 : memref<1x1x1x125xi32, #tpu.memory_space<hbm>> -> memref<125xi32, #tpu.memory_space<hbm>>
          %dma_wait3A_141 = arith.constant 0 : i32
          %dma_wait3A_142 = tpu.memref_slice %arg10[%run_scoped3A_119, %dma_wait3A_141] : memref<2x125xi32, #tpu.memory_space<vmem>> -> memref<1x125xi32, #tpu.memory_space<vmem>>
          %dma_wait3A_143 = tpu.memref_squeeze %dma_wait3A_142 : memref<1x125xi32, #tpu.memory_space<vmem>> -> memref<125xi32, #tpu.memory_space<vmem>>
          %dma_wait3A_144 = arith.constant 0 : i32
          %dma_wait3A_145 = tpu.memref_slice %arg3[%run_scoped3A_118, %add3A, %add3A_117, %dma_wait3A_144] : memref<2x32x80x125xi32, #tpu.memory_space<hbm>> -> memref<1x1x1x125xi32, #tpu.memory_space<hbm>>
          %dma_wait3A_146 = tpu.memref_squeeze %dma_wait3A_145 : memref<1x1x1x125xi32, #tpu.memory_space<hbm>> -> memref<125xi32, #tpu.memory_space<hbm>>
          tpu.wait_dma2 semaphore(%run_scoped3A_122 : memref<!tpu.dma_semaphore, #tpu.memory_space<semaphore_mem>>) src(%dma_wait3A_146 : memref<125xi32, #tpu.memory_space<hbm>>) dst(%dma_wait3A_143 : memref<125xi32, #tpu.memory_space<vmem>>)
          tpu.yield
        }) : () -> ()
        %run_scoped3A_120 = arith.constant 1 : i32
        %run_scoped3A_121 = arith.constant 1 : i32
        "tpu.region"() ({
          %run_scoped3A_122 = tpu.sem_alloc : memref<!tpu.dma_semaphore, #tpu.memory_space<semaphore_mem>>
          %dma_start3A_123 = arith.constant 0 : i32
          %dma_start3A_124 = tpu.memref_slice %arg10[%run_scoped3A_121, %dma_start3A_123] : memref<2x125xi32, #tpu.memory_space<vmem>> -> memref<1x125xi32, #tpu.memory_space<vmem>>
          %dma_start3A_125 = tpu.memref_squeeze %dma_start3A_124 : memref<1x125xi32, #tpu.memory_space<vmem>> -> memref<125xi32, #tpu.memory_space<vmem>>
          %dma_start3A_126 = arith.constant 0 : i32
          %dma_start3A_127 = tpu.memref_slice %arg3[%run_scoped3A_120, %add3A, %add3A_117, %dma_start3A_126] : memref<2x32x80x125xi32, #tpu.memory_space<hbm>> -> memref<1x1x1x125xi32, #tpu.memory_space<hbm>>
          %dma_start3A_128 = tpu.memref_squeeze %dma_start3A_127 : memref<1x1x1x125xi32, #tpu.memory_space<hbm>> -> memref<125xi32, #tpu.memory_space<hbm>>
          %dma_start3A_129 = arith.constant 0 : i32
          %dma_start3A_130 = tpu.memref_slice %arg10[%run_scoped3A_121, %dma_start3A_129] : memref<2x125xi32, #tpu.memory_space<vmem>> -> memref<1x125xi32, #tpu.memory_space<vmem>>
          %dma_start3A_131 = tpu.memref_squeeze %dma_start3A_130 : memref<1x125xi32, #tpu.memory_space<vmem>> -> memref<125xi32, #tpu.memory_space<vmem>>
          %dma_start3A_132 = arith.constant 0 : i32
          %dma_start3A_133 = tpu.memref_slice %arg3[%run_scoped3A_120, %add3A, %add3A_117, %dma_start3A_132] : memref<2x32x80x125xi32, #tpu.memory_space<hbm>> -> memref<1x1x1x125xi32, #tpu.memory_space<hbm>>
          %dma_start3A_134 = tpu.memref_squeeze %dma_start3A_133 : memref<1x1x1x125xi32, #tpu.memory_space<hbm>> -> memref<125xi32, #tpu.memory_space<hbm>>
          tpu.enqueue_dma source(%dma_start3A_134 : memref<125xi32, #tpu.memory_space<hbm>>) target(%dma_start3A_131 : memref<125xi32, #tpu.memory_space<vmem>>) target_semaphore(%run_scoped3A_122 : memref<!tpu.dma_semaphore, #tpu.memory_space<semaphore_mem>>)
          %dma_wait3A_135 = arith.constant 0 : i32
          %dma_wait3A_136 = tpu.memref_slice %arg10[%run_scoped3A_121, %dma_wait3A_135] : memref<2x125xi32, #tpu.memory_space<vmem>> -> memref<1x125xi32, #tpu.memory_space<vmem>>
          %dma_wait3A_137 = tpu.memref_squeeze %dma_wait3A_136 : memref<1x125xi32, #tpu.memory_space<vmem>> -> memref<125xi32, #tpu.memory_space<vmem>>
          %dma_wait3A_138 = arith.constant 0 : i32
          %dma_wait3A_139 = tpu.memref_slice %arg3[%run_scoped3A_120, %add3A, %add3A_117, %dma_wait3A_138] : memref<2x32x80x125xi32, #tpu.memory_space<hbm>> -> memref<1x1x1x125xi32, #tpu.memory_space<hbm>>
          %dma_wait3A_140 = tpu.memref_squeeze %dma_wait3A_139 : memref<1x1x1x125xi32, #tpu.memory_space<hbm>> -> memref<125xi32, #tpu.memory_space<hbm>>
          %dma_wait3A_141 = arith.constant 0 : i32
          %dma_wait3A_142 = tpu.memref_slice %arg10[%run_scoped3A_121, %dma_wait3A_141] : memref<2x125xi32, #tpu.memory_space<vmem>> -> memref<1x125xi32, #tpu.memory_space<vmem>>
          %dma_wait3A_143 = tpu.memref_squeeze %dma_wait3A_142 : memref<1x125xi32, #tpu.memory_space<vmem>> -> memref<125xi32, #tpu.memory_space<vmem>>
          %dma_wait3A_144 = arith.constant 0 : i32
          %dma_wait3A_145 = tpu.memref_slice %arg3[%run_scoped3A_120, %add3A, %add3A_117, %dma_wait3A_144] : memref<2x32x80x125xi32, #tpu.memory_space<hbm>> -> memref<1x1x1x125xi32, #tpu.memory_space<hbm>>
          %dma_wait3A_146 = tpu.memref_squeeze %dma_wait3A_145 : memref<1x1x1x125xi32, #tpu.memory_space<hbm>> -> memref<125xi32, #tpu.memory_space<hbm>>
          tpu.wait_dma2 semaphore(%run_scoped3A_122 : memref<!tpu.dma_semaphore, #tpu.memory_space<semaphore_mem>>) src(%dma_wait3A_146 : memref<125xi32, #tpu.memory_space<hbm>>) dst(%dma_wait3A_143 : memref<125xi32, #tpu.memory_space<vmem>>)
          tpu.yield
        }) : () -> ()
      } else {
      }
    }
    %scan3A_30 = arith.constant 40 : i32
    %barrier3A_31 = arith.constant 0 : index
    tpu.barrier barrier_id(%barrier3A_31)
    %mul3A_32 = arith.constant 632 : i32
    %mul3A_33 = arith.muli %arg1, %mul3A_32 : i32
    %mul3A_34 = arith.constant 632 : i32
    %mul3A_35 = arith.muli %arg1, %mul3A_34 : i32
    "tpu.region"() ({
      %run_scoped3A_40 = tpu.sem_alloc : memref<!tpu.dma_semaphore, #tpu.memory_space<semaphore_mem>>
      %dma_start3A_41 = arith.constant 0 : i32
      %dma_start3A_42 = tpu.memref_slice %arg7[%arg0, %mul3A_35, %dma_start3A_41] : memref<2x10112x128xf32, #tpu.memory_space<hbm>> -> memref<1x632x128xf32, #tpu.memory_space<hbm>>
      %dma_start3A_43 = tpu.memref_squeeze %dma_start3A_42 : memref<1x632x128xf32, #tpu.memory_space<hbm>> -> memref<632x128xf32, #tpu.memory_space<hbm>>
      %dma_start3A_44 = arith.constant 0 : i32
      %dma_start3A_45 = tpu.memref_slice %arg13[%mul3A_33, %dma_start3A_44] : memref<10112x128xf32, #tpu.memory_space<vmem_shared>> -> memref<632x128xf32, #tpu.memory_space<vmem_shared>>
      tpu.enqueue_dma source(%dma_start3A_45 : memref<632x128xf32, #tpu.memory_space<vmem_shared>>) target(%dma_start3A_43 : memref<632x128xf32, #tpu.memory_space<hbm>>) target_semaphore(%run_scoped3A_40 : memref<!tpu.dma_semaphore, #tpu.memory_space<semaphore_mem>>)
      %dma_wait3A = arith.constant 0 : i32
      %dma_wait3A_46 = tpu.memref_slice %arg7[%arg0, %mul3A_35, %dma_wait3A] : memref<2x10112x128xf32, #tpu.memory_space<hbm>> -> memref<1x632x128xf32, #tpu.memory_space<hbm>>
      %dma_wait3A_47 = tpu.memref_squeeze %dma_wait3A_46 : memref<1x632x128xf32, #tpu.memory_space<hbm>> -> memref<632x128xf32, #tpu.memory_space<hbm>>
      %dma_wait3A_48 = arith.constant 0 : i32
      %dma_wait3A_49 = tpu.memref_slice %arg13[%mul3A_33, %dma_wait3A_48] : memref<10112x128xf32, #tpu.memory_space<vmem_shared>> -> memref<632x128xf32, #tpu.memory_space<vmem_shared>>
      tpu.wait_dma2 semaphore(%run_scoped3A_40 : memref<!tpu.dma_semaphore, #tpu.memory_space<semaphore_mem>>) src(%dma_wait3A_49 : memref<632x128xf32, #tpu.memory_space<vmem_shared>>) dst(%dma_wait3A_47 : memref<632x128xf32, #tpu.memory_space<hbm>>)
      tpu.yield
    }) : () -> ()
    %mul3A_36 = arith.constant 632 : i32
    %mul3A_37 = arith.muli %arg1, %mul3A_36 : i32
    %mul3A_38 = arith.constant 632 : i32
    %mul3A_39 = arith.muli %arg1, %mul3A_38 : i32
    "tpu.region"() ({
      %run_scoped3A_40 = tpu.sem_alloc : memref<!tpu.dma_semaphore, #tpu.memory_space<semaphore_mem>>
      %dma_start3A_41 = arith.constant 0 : i32
      %dma_start3A_42 = tpu.memref_slice %arg8[%arg0, %mul3A_39, %dma_start3A_41] : memref<2x10112x16xf32, #tpu.memory_space<hbm>> -> memref<1x632x16xf32, #tpu.memory_space<hbm>>
      %dma_start3A_43 = tpu.memref_squeeze %dma_start3A_42 : memref<1x632x16xf32, #tpu.memory_space<hbm>> -> memref<632x16xf32, #tpu.memory_space<hbm>>
      %dma_start3A_44 = arith.constant 0 : i32
      %dma_start3A_45 = tpu.memref_slice %arg19[%mul3A_37, %dma_start3A_44] : memref<10112x16xf32, #tpu.memory_space<vmem_shared>> -> memref<632x16xf32, #tpu.memory_space<vmem_shared>>
      tpu.enqueue_dma source(%dma_start3A_45 : memref<632x16xf32, #tpu.memory_space<vmem_shared>>) target(%dma_start3A_43 : memref<632x16xf32, #tpu.memory_space<hbm>>) target_semaphore(%run_scoped3A_40 : memref<!tpu.dma_semaphore, #tpu.memory_space<semaphore_mem>>)
      %dma_wait3A = arith.constant 0 : i32
      %dma_wait3A_46 = tpu.memref_slice %arg8[%arg0, %mul3A_39, %dma_wait3A] : memref<2x10112x16xf32, #tpu.memory_space<hbm>> -> memref<1x632x16xf32, #tpu.memory_space<hbm>>
      %dma_wait3A_47 = tpu.memref_squeeze %dma_wait3A_46 : memref<1x632x16xf32, #tpu.memory_space<hbm>> -> memref<632x16xf32, #tpu.memory_space<hbm>>
      %dma_wait3A_48 = arith.constant 0 : i32
      %dma_wait3A_49 = tpu.memref_slice %arg19[%mul3A_37, %dma_wait3A_48] : memref<10112x16xf32, #tpu.memory_space<vmem_shared>> -> memref<632x16xf32, #tpu.memory_space<vmem_shared>>
      tpu.wait_dma2 semaphore(%run_scoped3A_40 : memref<!tpu.dma_semaphore, #tpu.memory_space<semaphore_mem>>) src(%dma_wait3A_49 : memref<632x16xf32, #tpu.memory_space<vmem_shared>>) dst(%dma_wait3A_47 : memref<632x16xf32, #tpu.memory_space<hbm>>)
      tpu.yield
    }) : () -> ()
    return
  }
}

#map = affine_map<(d0, d1) -> (0, 0)>
#map1 = affine_map<(d0, d1) -> (0, 0, 0, 0)>
#map2 = affine_map<(d0, d1) -> (0, 0, 0)>
module attributes {stable_mosaic.version = 14 : i64} {
  func.func @segsum(%arg0: i32, %arg1: i32, %arg2: memref<10000x128xf32, #tpu.memory_space<hbm>>, %arg3: memref<2x32x80x125xi32, #tpu.memory_space<hbm>>, %arg4: memref<10112x128xf32, #tpu.memory_space<hbm>>, %arg5: memref<10112x16xf32, #tpu.memory_space<hbm>>, %arg6: memref<125x16xf32, #tpu.memory_space<hbm>>, %arg7: memref<2x10112x128xf32, #tpu.memory_space<hbm>>, %arg8: memref<2x125xi32, #tpu.memory_space<vmem>>, %arg9: memref<2x125xi32, #tpu.memory_space<vmem>>, %arg10: memref<125x128xf32, #tpu.memory_space<vmem>>, %arg11: memref<125x128xf32, #tpu.memory_space<vmem>>, %arg12: memref<10112x128xf32, #tpu.memory_space<vmem_shared>>, %arg13: memref<!tpu.dma_semaphore, #tpu.memory_space<semaphore_mem>>, %arg14: memref<!tpu.dma_semaphore, #tpu.memory_space<semaphore_mem>>, %arg15: memref<!tpu.dma_semaphore, #tpu.memory_space<semaphore_mem>>, %arg16: memref<!tpu.dma_semaphore, #tpu.memory_space<semaphore_mem>>) attributes {dimension_semantics = [#tpu.dimension_semantics<core_parallel>, #tpu.dimension_semantics<subcore_parallel>], iteration_bounds = array<i64: 2, 16>, scalar_prefetch = 0 : i64, scratch_operands = 9 : i64, tpu.core_type = #tpu.core_type<sc_vector_subcore>, window_params = [{transform_indices = #map}, {transform_indices = #map1}, {transform_indices = #map}, {transform_indices = #map}, {transform_indices = #map}, {transform_indices = #map2}]} {
    %mul3A = arith.constant 2 : i32
    %mul3A_0 = arith.muli %arg1, %mul3A : i32
    %add3A = arith.addi %mul3A_0, %arg0 : i32
    %mul3A_1 = arith.constant 632 : i32
    %mul3A_2 = arith.muli %arg1, %mul3A_1 : i32
    %mul3A_3 = arith.constant 632 : i32
    %mul3A_4 = arith.muli %arg1, %mul3A_3 : i32
    "tpu.region"() ({
      %run_scoped3A_32 = tpu.sem_alloc : memref<!tpu.dma_semaphore, #tpu.memory_space<semaphore_mem>>
      %dma_start3A_33 = arith.constant 0 : i32
      %dma_start3A_34 = tpu.memref_slice %arg12[%mul3A_4, %dma_start3A_33] : memref<10112x128xf32, #tpu.memory_space<vmem_shared>> -> memref<632x128xf32, #tpu.memory_space<vmem_shared>>
      %dma_start3A_35 = arith.constant 0 : i32
      %dma_start3A_36 = tpu.memref_slice %arg4[%mul3A_2, %dma_start3A_35] : memref<10112x128xf32, #tpu.memory_space<hbm>> -> memref<632x128xf32, #tpu.memory_space<hbm>>
      tpu.enqueue_dma source(%dma_start3A_36 : memref<632x128xf32, #tpu.memory_space<hbm>>) target(%dma_start3A_34 : memref<632x128xf32, #tpu.memory_space<vmem_shared>>) target_semaphore(%run_scoped3A_32 : memref<!tpu.dma_semaphore, #tpu.memory_space<semaphore_mem>>)
      %dma_wait3A = arith.constant 0 : i32
      %dma_wait3A_37 = tpu.memref_slice %arg12[%mul3A_4, %dma_wait3A] : memref<10112x128xf32, #tpu.memory_space<vmem_shared>> -> memref<632x128xf32, #tpu.memory_space<vmem_shared>>
      %dma_wait3A_38 = arith.constant 0 : i32
      %dma_wait3A_39 = tpu.memref_slice %arg4[%mul3A_2, %dma_wait3A_38] : memref<10112x128xf32, #tpu.memory_space<hbm>> -> memref<632x128xf32, #tpu.memory_space<hbm>>
      tpu.wait_dma2 semaphore(%run_scoped3A_32 : memref<!tpu.dma_semaphore, #tpu.memory_space<semaphore_mem>>) src(%dma_wait3A_39 : memref<632x128xf32, #tpu.memory_space<hbm>>) dst(%dma_wait3A_37 : memref<632x128xf32, #tpu.memory_space<vmem_shared>>)
      tpu.yield
    }) : () -> ()
    %barrier3A = arith.constant 0 : index
    tpu.barrier barrier_id(%barrier3A)
    %run_scoped3A = arith.constant 0 : i32
    %run_scoped3A_5 = arith.constant 0 : i32
    %run_scoped3A_6 = arith.constant 0 : i32
    "tpu.region"() ({
      %run_scoped3A_32 = tpu.sem_alloc : memref<!tpu.dma_semaphore, #tpu.memory_space<semaphore_mem>>
      %dma_start3A_33 = arith.constant 0 : i32
      %dma_start3A_34 = tpu.memref_slice %arg8[%run_scoped3A_6, %dma_start3A_33] : memref<2x125xi32, #tpu.memory_space<vmem>> -> memref<1x125xi32, #tpu.memory_space<vmem>>
      %dma_start3A_35 = tpu.memref_squeeze %dma_start3A_34 : memref<1x125xi32, #tpu.memory_space<vmem>> -> memref<125xi32, #tpu.memory_space<vmem>>
      %dma_start3A_36 = arith.constant 0 : i32
      %dma_start3A_37 = tpu.memref_slice %arg3[%run_scoped3A, %add3A, %run_scoped3A_5, %dma_start3A_36] : memref<2x32x80x125xi32, #tpu.memory_space<hbm>> -> memref<1x1x1x125xi32, #tpu.memory_space<hbm>>
      %dma_start3A_38 = tpu.memref_squeeze %dma_start3A_37 : memref<1x1x1x125xi32, #tpu.memory_space<hbm>> -> memref<125xi32, #tpu.memory_space<hbm>>
      %dma_start3A_39 = arith.constant 0 : i32
      %dma_start3A_40 = tpu.memref_slice %arg8[%run_scoped3A_6, %dma_start3A_39] : memref<2x125xi32, #tpu.memory_space<vmem>> -> memref<1x125xi32, #tpu.memory_space<vmem>>
      %dma_start3A_41 = tpu.memref_squeeze %dma_start3A_40 : memref<1x125xi32, #tpu.memory_space<vmem>> -> memref<125xi32, #tpu.memory_space<vmem>>
      %dma_start3A_42 = arith.constant 0 : i32
      %dma_start3A_43 = tpu.memref_slice %arg3[%run_scoped3A, %add3A, %run_scoped3A_5, %dma_start3A_42] : memref<2x32x80x125xi32, #tpu.memory_space<hbm>> -> memref<1x1x1x125xi32, #tpu.memory_space<hbm>>
      %dma_start3A_44 = tpu.memref_squeeze %dma_start3A_43 : memref<1x1x1x125xi32, #tpu.memory_space<hbm>> -> memref<125xi32, #tpu.memory_space<hbm>>
      tpu.enqueue_dma source(%dma_start3A_44 : memref<125xi32, #tpu.memory_space<hbm>>) target(%dma_start3A_41 : memref<125xi32, #tpu.memory_space<vmem>>) target_semaphore(%run_scoped3A_32 : memref<!tpu.dma_semaphore, #tpu.memory_space<semaphore_mem>>)
      %dma_wait3A = arith.constant 0 : i32
      %dma_wait3A_45 = tpu.memref_slice %arg8[%run_scoped3A_6, %dma_wait3A] : memref<2x125xi32, #tpu.memory_space<vmem>> -> memref<1x125xi32, #tpu.memory_space<vmem>>
      %dma_wait3A_46 = tpu.memref_squeeze %dma_wait3A_45 : memref<1x125xi32, #tpu.memory_space<vmem>> -> memref<125xi32, #tpu.memory_space<vmem>>
      %dma_wait3A_47 = arith.constant 0 : i32
      %dma_wait3A_48 = tpu.memref_slice %arg3[%run_scoped3A, %add3A, %run_scoped3A_5, %dma_wait3A_47] : memref<2x32x80x125xi32, #tpu.memory_space<hbm>> -> memref<1x1x1x125xi32, #tpu.memory_space<hbm>>
      %dma_wait3A_49 = tpu.memref_squeeze %dma_wait3A_48 : memref<1x1x1x125xi32, #tpu.memory_space<hbm>> -> memref<125xi32, #tpu.memory_space<hbm>>
      %dma_wait3A_50 = arith.constant 0 : i32
      %dma_wait3A_51 = tpu.memref_slice %arg8[%run_scoped3A_6, %dma_wait3A_50] : memref<2x125xi32, #tpu.memory_space<vmem>> -> memref<1x125xi32, #tpu.memory_space<vmem>>
      %dma_wait3A_52 = tpu.memref_squeeze %dma_wait3A_51 : memref<1x125xi32, #tpu.memory_space<vmem>> -> memref<125xi32, #tpu.memory_space<vmem>>
      %dma_wait3A_53 = arith.constant 0 : i32
      %dma_wait3A_54 = tpu.memref_slice %arg3[%run_scoped3A, %add3A, %run_scoped3A_5, %dma_wait3A_53] : memref<2x32x80x125xi32, #tpu.memory_space<hbm>> -> memref<1x1x1x125xi32, #tpu.memory_space<hbm>>
      %dma_wait3A_55 = tpu.memref_squeeze %dma_wait3A_54 : memref<1x1x1x125xi32, #tpu.memory_space<hbm>> -> memref<125xi32, #tpu.memory_space<hbm>>
      tpu.wait_dma2 semaphore(%run_scoped3A_32 : memref<!tpu.dma_semaphore, #tpu.memory_space<semaphore_mem>>) src(%dma_wait3A_55 : memref<125xi32, #tpu.memory_space<hbm>>) dst(%dma_wait3A_52 : memref<125xi32, #tpu.memory_space<vmem>>)
      tpu.yield
    }) : () -> ()
    %run_scoped3A_7 = arith.constant 1 : i32
    %run_scoped3A_8 = arith.constant 0 : i32
    %run_scoped3A_9 = arith.constant 1 : i32
    "tpu.region"() ({
      %run_scoped3A_32 = tpu.sem_alloc : memref<!tpu.dma_semaphore, #tpu.memory_space<semaphore_mem>>
      %dma_start3A_33 = arith.constant 0 : i32
      %dma_start3A_34 = tpu.memref_slice %arg8[%run_scoped3A_9, %dma_start3A_33] : memref<2x125xi32, #tpu.memory_space<vmem>> -> memref<1x125xi32, #tpu.memory_space<vmem>>
      %dma_start3A_35 = tpu.memref_squeeze %dma_start3A_34 : memref<1x125xi32, #tpu.memory_space<vmem>> -> memref<125xi32, #tpu.memory_space<vmem>>
      %dma_start3A_36 = arith.constant 0 : i32
      %dma_start3A_37 = tpu.memref_slice %arg3[%run_scoped3A_7, %add3A, %run_scoped3A_8, %dma_start3A_36] : memref<2x32x80x125xi32, #tpu.memory_space<hbm>> -> memref<1x1x1x125xi32, #tpu.memory_space<hbm>>
      %dma_start3A_38 = tpu.memref_squeeze %dma_start3A_37 : memref<1x1x1x125xi32, #tpu.memory_space<hbm>> -> memref<125xi32, #tpu.memory_space<hbm>>
      %dma_start3A_39 = arith.constant 0 : i32
      %dma_start3A_40 = tpu.memref_slice %arg8[%run_scoped3A_9, %dma_start3A_39] : memref<2x125xi32, #tpu.memory_space<vmem>> -> memref<1x125xi32, #tpu.memory_space<vmem>>
      %dma_start3A_41 = tpu.memref_squeeze %dma_start3A_40 : memref<1x125xi32, #tpu.memory_space<vmem>> -> memref<125xi32, #tpu.memory_space<vmem>>
      %dma_start3A_42 = arith.constant 0 : i32
      %dma_start3A_43 = tpu.memref_slice %arg3[%run_scoped3A_7, %add3A, %run_scoped3A_8, %dma_start3A_42] : memref<2x32x80x125xi32, #tpu.memory_space<hbm>> -> memref<1x1x1x125xi32, #tpu.memory_space<hbm>>
      %dma_start3A_44 = tpu.memref_squeeze %dma_start3A_43 : memref<1x1x1x125xi32, #tpu.memory_space<hbm>> -> memref<125xi32, #tpu.memory_space<hbm>>
      tpu.enqueue_dma source(%dma_start3A_44 : memref<125xi32, #tpu.memory_space<hbm>>) target(%dma_start3A_41 : memref<125xi32, #tpu.memory_space<vmem>>) target_semaphore(%run_scoped3A_32 : memref<!tpu.dma_semaphore, #tpu.memory_space<semaphore_mem>>)
      %dma_wait3A = arith.constant 0 : i32
      %dma_wait3A_45 = tpu.memref_slice %arg8[%run_scoped3A_9, %dma_wait3A] : memref<2x125xi32, #tpu.memory_space<vmem>> -> memref<1x125xi32, #tpu.memory_space<vmem>>
      %dma_wait3A_46 = tpu.memref_squeeze %dma_wait3A_45 : memref<1x125xi32, #tpu.memory_space<vmem>> -> memref<125xi32, #tpu.memory_space<vmem>>
      %dma_wait3A_47 = arith.constant 0 : i32
      %dma_wait3A_48 = tpu.memref_slice %arg3[%run_scoped3A_7, %add3A, %run_scoped3A_8, %dma_wait3A_47] : memref<2x32x80x125xi32, #tpu.memory_space<hbm>> -> memref<1x1x1x125xi32, #tpu.memory_space<hbm>>
      %dma_wait3A_49 = tpu.memref_squeeze %dma_wait3A_48 : memref<1x1x1x125xi32, #tpu.memory_space<hbm>> -> memref<125xi32, #tpu.memory_space<hbm>>
      %dma_wait3A_50 = arith.constant 0 : i32
      %dma_wait3A_51 = tpu.memref_slice %arg8[%run_scoped3A_9, %dma_wait3A_50] : memref<2x125xi32, #tpu.memory_space<vmem>> -> memref<1x125xi32, #tpu.memory_space<vmem>>
      %dma_wait3A_52 = tpu.memref_squeeze %dma_wait3A_51 : memref<1x125xi32, #tpu.memory_space<vmem>> -> memref<125xi32, #tpu.memory_space<vmem>>
      %dma_wait3A_53 = arith.constant 0 : i32
      %dma_wait3A_54 = tpu.memref_slice %arg3[%run_scoped3A_7, %add3A, %run_scoped3A_8, %dma_wait3A_53] : memref<2x32x80x125xi32, #tpu.memory_space<hbm>> -> memref<1x1x1x125xi32, #tpu.memory_space<hbm>>
      %dma_wait3A_55 = tpu.memref_squeeze %dma_wait3A_54 : memref<1x1x1x125xi32, #tpu.memory_space<hbm>> -> memref<125xi32, #tpu.memory_space<hbm>>
      tpu.wait_dma2 semaphore(%run_scoped3A_32 : memref<!tpu.dma_semaphore, #tpu.memory_space<semaphore_mem>>) src(%dma_wait3A_55 : memref<125xi32, #tpu.memory_space<hbm>>) dst(%dma_wait3A_52 : memref<125xi32, #tpu.memory_space<vmem>>)
      tpu.yield
    }) : () -> ()
    %dma_start3A = arith.constant 0 : i32
    %dma_start3A_10 = arith.constant 0 : i32
    %dma_start3A_11 = tpu.memref_slice %arg8[%dma_start3A, %dma_start3A_10] : memref<2x125xi32, #tpu.memory_space<vmem>> -> memref<1x125xi32, #tpu.memory_space<vmem>>
    %dma_start3A_12 = tpu.memref_squeeze %dma_start3A_11 : memref<1x125xi32, #tpu.memory_space<vmem>> -> memref<125xi32, #tpu.memory_space<vmem>>
    %dma_start3A_13 = arith.constant 0 : i32
    %dma_start3A_14 = arith.constant 0 : i32
    %dma_start3A_15 = tpu.memref_slice %arg2[%dma_start3A_13, %dma_start3A_14] : memref<10000x128xf32, #tpu.memory_space<hbm>> -> memref<10000x128xf32, #tpu.memory_space<hbm>>
    tpu.enqueue_indirect_dma source(%dma_start3A_15 : memref<10000x128xf32, #tpu.memory_space<hbm>>) target(%arg10 : memref<125x128xf32, #tpu.memory_space<vmem>>) offsets(%dma_start3A_12 : memref<125xi32, #tpu.memory_space<vmem>>) semaphore(%arg13 : memref<!tpu.dma_semaphore, #tpu.memory_space<semaphore_mem>>)
    %run_scoped3A_16 = arith.constant 0 : i32
    %run_scoped3A_17 = arith.constant 1 : i32
    %run_scoped3A_18 = arith.constant 0 : i32
    "tpu.region"() ({
      %run_scoped3A_32 = tpu.sem_alloc : memref<!tpu.dma_semaphore, #tpu.memory_space<semaphore_mem>>
      %dma_start3A_33 = arith.constant 0 : i32
      %dma_start3A_34 = tpu.memref_slice %arg9[%run_scoped3A_18, %dma_start3A_33] : memref<2x125xi32, #tpu.memory_space<vmem>> -> memref<1x125xi32, #tpu.memory_space<vmem>>
      %dma_start3A_35 = tpu.memref_squeeze %dma_start3A_34 : memref<1x125xi32, #tpu.memory_space<vmem>> -> memref<125xi32, #tpu.memory_space<vmem>>
      %dma_start3A_36 = arith.constant 0 : i32
      %dma_start3A_37 = tpu.memref_slice %arg3[%run_scoped3A_16, %add3A, %run_scoped3A_17, %dma_start3A_36] : memref<2x32x80x125xi32, #tpu.memory_space<hbm>> -> memref<1x1x1x125xi32, #tpu.memory_space<hbm>>
      %dma_start3A_38 = tpu.memref_squeeze %dma_start3A_37 : memref<1x1x1x125xi32, #tpu.memory_space<hbm>> -> memref<125xi32, #tpu.memory_space<hbm>>
      %dma_start3A_39 = arith.constant 0 : i32
      %dma_start3A_40 = tpu.memref_slice %arg9[%run_scoped3A_18, %dma_start3A_39] : memref<2x125xi32, #tpu.memory_space<vmem>> -> memref<1x125xi32, #tpu.memory_space<vmem>>
      %dma_start3A_41 = tpu.memref_squeeze %dma_start3A_40 : memref<1x125xi32, #tpu.memory_space<vmem>> -> memref<125xi32, #tpu.memory_space<vmem>>
      %dma_start3A_42 = arith.constant 0 : i32
      %dma_start3A_43 = tpu.memref_slice %arg3[%run_scoped3A_16, %add3A, %run_scoped3A_17, %dma_start3A_42] : memref<2x32x80x125xi32, #tpu.memory_space<hbm>> -> memref<1x1x1x125xi32, #tpu.memory_space<hbm>>
      %dma_start3A_44 = tpu.memref_squeeze %dma_start3A_43 : memref<1x1x1x125xi32, #tpu.memory_space<hbm>> -> memref<125xi32, #tpu.memory_space<hbm>>
      tpu.enqueue_dma source(%dma_start3A_44 : memref<125xi32, #tpu.memory_space<hbm>>) target(%dma_start3A_41 : memref<125xi32, #tpu.memory_space<vmem>>) target_semaphore(%run_scoped3A_32 : memref<!tpu.dma_semaphore, #tpu.memory_space<semaphore_mem>>)
      %dma_wait3A = arith.constant 0 : i32
      %dma_wait3A_45 = tpu.memref_slice %arg9[%run_scoped3A_18, %dma_wait3A] : memref<2x125xi32, #tpu.memory_space<vmem>> -> memref<1x125xi32, #tpu.memory_space<vmem>>
      %dma_wait3A_46 = tpu.memref_squeeze %dma_wait3A_45 : memref<1x125xi32, #tpu.memory_space<vmem>> -> memref<125xi32, #tpu.memory_space<vmem>>
      %dma_wait3A_47 = arith.constant 0 : i32
      %dma_wait3A_48 = tpu.memref_slice %arg3[%run_scoped3A_16, %add3A, %run_scoped3A_17, %dma_wait3A_47] : memref<2x32x80x125xi32, #tpu.memory_space<hbm>> -> memref<1x1x1x125xi32, #tpu.memory_space<hbm>>
      %dma_wait3A_49 = tpu.memref_squeeze %dma_wait3A_48 : memref<1x1x1x125xi32, #tpu.memory_space<hbm>> -> memref<125xi32, #tpu.memory_space<hbm>>
      %dma_wait3A_50 = arith.constant 0 : i32
      %dma_wait3A_51 = tpu.memref_slice %arg9[%run_scoped3A_18, %dma_wait3A_50] : memref<2x125xi32, #tpu.memory_space<vmem>> -> memref<1x125xi32, #tpu.memory_space<vmem>>
      %dma_wait3A_52 = tpu.memref_squeeze %dma_wait3A_51 : memref<1x125xi32, #tpu.memory_space<vmem>> -> memref<125xi32, #tpu.memory_space<vmem>>
      %dma_wait3A_53 = arith.constant 0 : i32
      %dma_wait3A_54 = tpu.memref_slice %arg3[%run_scoped3A_16, %add3A, %run_scoped3A_17, %dma_wait3A_53] : memref<2x32x80x125xi32, #tpu.memory_space<hbm>> -> memref<1x1x1x125xi32, #tpu.memory_space<hbm>>
      %dma_wait3A_55 = tpu.memref_squeeze %dma_wait3A_54 : memref<1x1x1x125xi32, #tpu.memory_space<hbm>> -> memref<125xi32, #tpu.memory_space<hbm>>
      tpu.wait_dma2 semaphore(%run_scoped3A_32 : memref<!tpu.dma_semaphore, #tpu.memory_space<semaphore_mem>>) src(%dma_wait3A_55 : memref<125xi32, #tpu.memory_space<hbm>>) dst(%dma_wait3A_52 : memref<125xi32, #tpu.memory_space<vmem>>)
      tpu.yield
    }) : () -> ()
    %run_scoped3A_19 = arith.constant 1 : i32
    %run_scoped3A_20 = arith.constant 1 : i32
    %run_scoped3A_21 = arith.constant 1 : i32
    "tpu.region"() ({
      %run_scoped3A_32 = tpu.sem_alloc : memref<!tpu.dma_semaphore, #tpu.memory_space<semaphore_mem>>
      %dma_start3A_33 = arith.constant 0 : i32
      %dma_start3A_34 = tpu.memref_slice %arg9[%run_scoped3A_21, %dma_start3A_33] : memref<2x125xi32, #tpu.memory_space<vmem>> -> memref<1x125xi32, #tpu.memory_space<vmem>>
      %dma_start3A_35 = tpu.memref_squeeze %dma_start3A_34 : memref<1x125xi32, #tpu.memory_space<vmem>> -> memref<125xi32, #tpu.memory_space<vmem>>
      %dma_start3A_36 = arith.constant 0 : i32
      %dma_start3A_37 = tpu.memref_slice %arg3[%run_scoped3A_19, %add3A, %run_scoped3A_20, %dma_start3A_36] : memref<2x32x80x125xi32, #tpu.memory_space<hbm>> -> memref<1x1x1x125xi32, #tpu.memory_space<hbm>>
      %dma_start3A_38 = tpu.memref_squeeze %dma_start3A_37 : memref<1x1x1x125xi32, #tpu.memory_space<hbm>> -> memref<125xi32, #tpu.memory_space<hbm>>
      %dma_start3A_39 = arith.constant 0 : i32
      %dma_start3A_40 = tpu.memref_slice %arg9[%run_scoped3A_21, %dma_start3A_39] : memref<2x125xi32, #tpu.memory_space<vmem>> -> memref<1x125xi32, #tpu.memory_space<vmem>>
      %dma_start3A_41 = tpu.memref_squeeze %dma_start3A_40 : memref<1x125xi32, #tpu.memory_space<vmem>> -> memref<125xi32, #tpu.memory_space<vmem>>
      %dma_start3A_42 = arith.constant 0 : i32
      %dma_start3A_43 = tpu.memref_slice %arg3[%run_scoped3A_19, %add3A, %run_scoped3A_20, %dma_start3A_42] : memref<2x32x80x125xi32, #tpu.memory_space<hbm>> -> memref<1x1x1x125xi32, #tpu.memory_space<hbm>>
      %dma_start3A_44 = tpu.memref_squeeze %dma_start3A_43 : memref<1x1x1x125xi32, #tpu.memory_space<hbm>> -> memref<125xi32, #tpu.memory_space<hbm>>
      tpu.enqueue_dma source(%dma_start3A_44 : memref<125xi32, #tpu.memory_space<hbm>>) target(%dma_start3A_41 : memref<125xi32, #tpu.memory_space<vmem>>) target_semaphore(%run_scoped3A_32 : memref<!tpu.dma_semaphore, #tpu.memory_space<semaphore_mem>>)
      %dma_wait3A = arith.constant 0 : i32
      %dma_wait3A_45 = tpu.memref_slice %arg9[%run_scoped3A_21, %dma_wait3A] : memref<2x125xi32, #tpu.memory_space<vmem>> -> memref<1x125xi32, #tpu.memory_space<vmem>>
      %dma_wait3A_46 = tpu.memref_squeeze %dma_wait3A_45 : memref<1x125xi32, #tpu.memory_space<vmem>> -> memref<125xi32, #tpu.memory_space<vmem>>
      %dma_wait3A_47 = arith.constant 0 : i32
      %dma_wait3A_48 = tpu.memref_slice %arg3[%run_scoped3A_19, %add3A, %run_scoped3A_20, %dma_wait3A_47] : memref<2x32x80x125xi32, #tpu.memory_space<hbm>> -> memref<1x1x1x125xi32, #tpu.memory_space<hbm>>
      %dma_wait3A_49 = tpu.memref_squeeze %dma_wait3A_48 : memref<1x1x1x125xi32, #tpu.memory_space<hbm>> -> memref<125xi32, #tpu.memory_space<hbm>>
      %dma_wait3A_50 = arith.constant 0 : i32
      %dma_wait3A_51 = tpu.memref_slice %arg9[%run_scoped3A_21, %dma_wait3A_50] : memref<2x125xi32, #tpu.memory_space<vmem>> -> memref<1x125xi32, #tpu.memory_space<vmem>>
      %dma_wait3A_52 = tpu.memref_squeeze %dma_wait3A_51 : memref<1x125xi32, #tpu.memory_space<vmem>> -> memref<125xi32, #tpu.memory_space<vmem>>
      %dma_wait3A_53 = arith.constant 0 : i32
      %dma_wait3A_54 = tpu.memref_slice %arg3[%run_scoped3A_19, %add3A, %run_scoped3A_20, %dma_wait3A_53] : memref<2x32x80x125xi32, #tpu.memory_space<hbm>> -> memref<1x1x1x125xi32, #tpu.memory_space<hbm>>
      %dma_wait3A_55 = tpu.memref_squeeze %dma_wait3A_54 : memref<1x1x1x125xi32, #tpu.memory_space<hbm>> -> memref<125xi32, #tpu.memory_space<hbm>>
      tpu.wait_dma2 semaphore(%run_scoped3A_32 : memref<!tpu.dma_semaphore, #tpu.memory_space<semaphore_mem>>) src(%dma_wait3A_55 : memref<125xi32, #tpu.memory_space<hbm>>) dst(%dma_wait3A_52 : memref<125xi32, #tpu.memory_space<vmem>>)
      tpu.yield
    }) : () -> ()
    %scan3A = arith.constant 0 : i32
    %scan3A_22 = arith.constant 0 : i32
    %scan3A_23 = arith.constant 40 : i32
    %scan3A_24 = arith.addi %scan3A_22, %scan3A_23 : i32
    %scan3A_25 = arith.constant 1 : i32
    scf.for %scan3A_32 = %scan3A_22 to %scan3A_24 step %scan3A_25  : i32 {
      %mul3A_33 = arith.constant 2 : i32
      %mul3A_34 = arith.muli %mul3A_33, %scan3A_32 : i32
      tpu.wait_dma2 semaphore(%arg13 : memref<!tpu.dma_semaphore, #tpu.memory_space<semaphore_mem>>) src(%arg2 : memref<10000x128xf32, #tpu.memory_space<hbm>>) dst(%arg10 : memref<125x128xf32, #tpu.memory_space<vmem>>)
      %dma_start3A_35 = arith.constant 0 : i32
      %dma_start3A_36 = arith.constant 0 : i32
      %dma_start3A_37 = tpu.memref_slice %arg9[%dma_start3A_35, %dma_start3A_36] : memref<2x125xi32, #tpu.memory_space<vmem>> -> memref<1x125xi32, #tpu.memory_space<vmem>>
      %dma_start3A_38 = tpu.memref_squeeze %dma_start3A_37 : memref<1x125xi32, #tpu.memory_space<vmem>> -> memref<125xi32, #tpu.memory_space<vmem>>
      %dma_start3A_39 = arith.constant 0 : i32
      %dma_start3A_40 = arith.constant 0 : i32
      %dma_start3A_41 = tpu.memref_slice %arg2[%dma_start3A_39, %dma_start3A_40] : memref<10000x128xf32, #tpu.memory_space<hbm>> -> memref<10000x128xf32, #tpu.memory_space<hbm>>
      tpu.enqueue_indirect_dma source(%dma_start3A_41 : memref<10000x128xf32, #tpu.memory_space<hbm>>) target(%arg11 : memref<125x128xf32, #tpu.memory_space<vmem>>) offsets(%dma_start3A_38 : memref<125xi32, #tpu.memory_space<vmem>>) semaphore(%arg14 : memref<!tpu.dma_semaphore, #tpu.memory_space<semaphore_mem>>)
      %dma_start3A_42 = arith.constant 1 : i32
      %dma_start3A_43 = arith.constant 0 : i32
      %dma_start3A_44 = tpu.memref_slice %arg8[%dma_start3A_42, %dma_start3A_43] : memref<2x125xi32, #tpu.memory_space<vmem>> -> memref<1x125xi32, #tpu.memory_space<vmem>>
      %dma_start3A_45 = tpu.memref_squeeze %dma_start3A_44 : memref<1x125xi32, #tpu.memory_space<vmem>> -> memref<125xi32, #tpu.memory_space<vmem>>
      %dma_start3A_46 = arith.constant 0 : i32
      %dma_start3A_47 = arith.constant 0 : i32
      %dma_start3A_48 = tpu.memref_slice %arg12[%dma_start3A_46, %dma_start3A_47] : memref<10112x128xf32, #tpu.memory_space<vmem_shared>> -> memref<10112x128xf32, #tpu.memory_space<vmem_shared>>
      tpu.enqueue_indirect_dma source(%arg10 : memref<125x128xf32, #tpu.memory_space<vmem>>) target(%dma_start3A_48 : memref<10112x128xf32, #tpu.memory_space<vmem_shared>>) offsets(%dma_start3A_45 : memref<125xi32, #tpu.memory_space<vmem>>) semaphore(%arg15 : memref<!tpu.dma_semaphore, #tpu.memory_space<semaphore_mem>>) {add = true}
      tpu.wait_dma2 semaphore(%arg14 : memref<!tpu.dma_semaphore, #tpu.memory_space<semaphore_mem>>) src(%arg2 : memref<10000x128xf32, #tpu.memory_space<hbm>>) dst(%arg11 : memref<125x128xf32, #tpu.memory_space<vmem>>)
      %dma_start3A_49 = arith.constant 1 : i32
      %dma_start3A_50 = arith.constant 0 : i32
      %dma_start3A_51 = tpu.memref_slice %arg9[%dma_start3A_49, %dma_start3A_50] : memref<2x125xi32, #tpu.memory_space<vmem>> -> memref<1x125xi32, #tpu.memory_space<vmem>>
      %dma_start3A_52 = tpu.memref_squeeze %dma_start3A_51 : memref<1x125xi32, #tpu.memory_space<vmem>> -> memref<125xi32, #tpu.memory_space<vmem>>
      %dma_start3A_53 = arith.constant 0 : i32
      %dma_start3A_54 = arith.constant 0 : i32
      %dma_start3A_55 = tpu.memref_slice %arg12[%dma_start3A_53, %dma_start3A_54] : memref<10112x128xf32, #tpu.memory_space<vmem_shared>> -> memref<10112x128xf32, #tpu.memory_space<vmem_shared>>
      tpu.enqueue_indirect_dma source(%arg11 : memref<125x128xf32, #tpu.memory_space<vmem>>) target(%dma_start3A_55 : memref<10112x128xf32, #tpu.memory_space<vmem_shared>>) offsets(%dma_start3A_52 : memref<125xi32, #tpu.memory_space<vmem>>) semaphore(%arg16 : memref<!tpu.dma_semaphore, #tpu.memory_space<semaphore_mem>>) {add = true}
      %dma_wait3A = arith.constant 1 : i32
      %dma_wait3A_56 = arith.constant 0 : i32
      %dma_wait3A_57 = tpu.memref_slice %arg8[%dma_wait3A, %dma_wait3A_56] : memref<2x125xi32, #tpu.memory_space<vmem>> -> memref<1x125xi32, #tpu.memory_space<vmem>>
      %dma_wait3A_58 = tpu.memref_squeeze %dma_wait3A_57 : memref<1x125xi32, #tpu.memory_space<vmem>> -> memref<125xi32, #tpu.memory_space<vmem>>
      %dma_wait3A_59 = arith.constant 0 : i32
      %dma_wait3A_60 = arith.constant 0 : i32
      %dma_wait3A_61 = tpu.memref_slice %arg12[%dma_wait3A_59, %dma_wait3A_60] : memref<10112x128xf32, #tpu.memory_space<vmem_shared>> -> memref<10112x128xf32, #tpu.memory_space<vmem_shared>>
      tpu.wait_indirect_dma semaphore(%arg15 : memref<!tpu.dma_semaphore, #tpu.memory_space<semaphore_mem>>) src(%arg10 : memref<125x128xf32, #tpu.memory_space<vmem>>) dst(%dma_wait3A_61 : memref<10112x128xf32, #tpu.memory_space<vmem_shared>>)
      %add3A_62 = arith.constant 2 : i32
      %add3A_63 = arith.addi %mul3A_34, %add3A_62 : i32
      %lt3A = arith.constant 80 : i32
      %lt3A_64 = arith.cmpi slt, %add3A_63, %lt3A : i32
      %convert_element_type3A = arith.extui %lt3A_64 : i1 to i32
      %cond3A = arith.constant 0 : i32
      %cond3A_65 = arith.cmpi ne, %convert_element_type3A, %cond3A : i32
      scf.if %cond3A_65 {
        %add3A_80 = arith.constant 2 : i32
        %add3A_81 = arith.addi %mul3A_34, %add3A_80 : i32
        %run_scoped3A_82 = arith.constant 0 : i32
        %run_scoped3A_83 = arith.constant 0 : i32
        "tpu.region"() ({
          %run_scoped3A_93 = tpu.sem_alloc : memref<!tpu.dma_semaphore, #tpu.memory_space<semaphore_mem>>
          %dma_start3A_94 = arith.constant 0 : i32
          %dma_start3A_95 = tpu.memref_slice %arg8[%run_scoped3A_83, %dma_start3A_94] : memref<2x125xi32, #tpu.memory_space<vmem>> -> memref<1x125xi32, #tpu.memory_space<vmem>>
          %dma_start3A_96 = tpu.memref_squeeze %dma_start3A_95 : memref<1x125xi32, #tpu.memory_space<vmem>> -> memref<125xi32, #tpu.memory_space<vmem>>
          %dma_start3A_97 = arith.constant 0 : i32
          %dma_start3A_98 = tpu.memref_slice %arg3[%run_scoped3A_82, %add3A, %add3A_81, %dma_start3A_97] : memref<2x32x80x125xi32, #tpu.memory_space<hbm>> -> memref<1x1x1x125xi32, #tpu.memory_space<hbm>>
          %dma_start3A_99 = tpu.memref_squeeze %dma_start3A_98 : memref<1x1x1x125xi32, #tpu.memory_space<hbm>> -> memref<125xi32, #tpu.memory_space<hbm>>
          %dma_start3A_100 = arith.constant 0 : i32
          %dma_start3A_101 = tpu.memref_slice %arg8[%run_scoped3A_83, %dma_start3A_100] : memref<2x125xi32, #tpu.memory_space<vmem>> -> memref<1x125xi32, #tpu.memory_space<vmem>>
          %dma_start3A_102 = tpu.memref_squeeze %dma_start3A_101 : memref<1x125xi32, #tpu.memory_space<vmem>> -> memref<125xi32, #tpu.memory_space<vmem>>
          %dma_start3A_103 = arith.constant 0 : i32
          %dma_start3A_104 = tpu.memref_slice %arg3[%run_scoped3A_82, %add3A, %add3A_81, %dma_start3A_103] : memref<2x32x80x125xi32, #tpu.memory_space<hbm>> -> memref<1x1x1x125xi32, #tpu.memory_space<hbm>>
          %dma_start3A_105 = tpu.memref_squeeze %dma_start3A_104 : memref<1x1x1x125xi32, #tpu.memory_space<hbm>> -> memref<125xi32, #tpu.memory_space<hbm>>
          tpu.enqueue_dma source(%dma_start3A_105 : memref<125xi32, #tpu.memory_space<hbm>>) target(%dma_start3A_102 : memref<125xi32, #tpu.memory_space<vmem>>) target_semaphore(%run_scoped3A_93 : memref<!tpu.dma_semaphore, #tpu.memory_space<semaphore_mem>>)
          %dma_wait3A_106 = arith.constant 0 : i32
          %dma_wait3A_107 = tpu.memref_slice %arg8[%run_scoped3A_83, %dma_wait3A_106] : memref<2x125xi32, #tpu.memory_space<vmem>> -> memref<1x125xi32, #tpu.memory_space<vmem>>
          %dma_wait3A_108 = tpu.memref_squeeze %dma_wait3A_107 : memref<1x125xi32, #tpu.memory_space<vmem>> -> memref<125xi32, #tpu.memory_space<vmem>>
          %dma_wait3A_109 = arith.constant 0 : i32
          %dma_wait3A_110 = tpu.memref_slice %arg3[%run_scoped3A_82, %add3A, %add3A_81, %dma_wait3A_109] : memref<2x32x80x125xi32, #tpu.memory_space<hbm>> -> memref<1x1x1x125xi32, #tpu.memory_space<hbm>>
          %dma_wait3A_111 = tpu.memref_squeeze %dma_wait3A_110 : memref<1x1x1x125xi32, #tpu.memory_space<hbm>> -> memref<125xi32, #tpu.memory_space<hbm>>
          %dma_wait3A_112 = arith.constant 0 : i32
          %dma_wait3A_113 = tpu.memref_slice %arg8[%run_scoped3A_83, %dma_wait3A_112] : memref<2x125xi32, #tpu.memory_space<vmem>> -> memref<1x125xi32, #tpu.memory_space<vmem>>
          %dma_wait3A_114 = tpu.memref_squeeze %dma_wait3A_113 : memref<1x125xi32, #tpu.memory_space<vmem>> -> memref<125xi32, #tpu.memory_space<vmem>>
          %dma_wait3A_115 = arith.constant 0 : i32
          %dma_wait3A_116 = tpu.memref_slice %arg3[%run_scoped3A_82, %add3A, %add3A_81, %dma_wait3A_115] : memref<2x32x80x125xi32, #tpu.memory_space<hbm>> -> memref<1x1x1x125xi32, #tpu.memory_space<hbm>>
          %dma_wait3A_117 = tpu.memref_squeeze %dma_wait3A_116 : memref<1x1x1x125xi32, #tpu.memory_space<hbm>> -> memref<125xi32, #tpu.memory_space<hbm>>
          tpu.wait_dma2 semaphore(%run_scoped3A_93 : memref<!tpu.dma_semaphore, #tpu.memory_space<semaphore_mem>>) src(%dma_wait3A_117 : memref<125xi32, #tpu.memory_space<hbm>>) dst(%dma_wait3A_114 : memref<125xi32, #tpu.memory_space<vmem>>)
          tpu.yield
        }) : () -> ()
        %run_scoped3A_84 = arith.constant 1 : i32
        %run_scoped3A_85 = arith.constant 1 : i32
        "tpu.region"() ({
          %run_scoped3A_93 = tpu.sem_alloc : memref<!tpu.dma_semaphore, #tpu.memory_space<semaphore_mem>>
          %dma_start3A_94 = arith.constant 0 : i32
          %dma_start3A_95 = tpu.memref_slice %arg8[%run_scoped3A_85, %dma_start3A_94] : memref<2x125xi32, #tpu.memory_space<vmem>> -> memref<1x125xi32, #tpu.memory_space<vmem>>
          %dma_start3A_96 = tpu.memref_squeeze %dma_start3A_95 : memref<1x125xi32, #tpu.memory_space<vmem>> -> memref<125xi32, #tpu.memory_space<vmem>>
          %dma_start3A_97 = arith.constant 0 : i32
          %dma_start3A_98 = tpu.memref_slice %arg3[%run_scoped3A_84, %add3A, %add3A_81, %dma_start3A_97] : memref<2x32x80x125xi32, #tpu.memory_space<hbm>> -> memref<1x1x1x125xi32, #tpu.memory_space<hbm>>
          %dma_start3A_99 = tpu.memref_squeeze %dma_start3A_98 : memref<1x1x1x125xi32, #tpu.memory_space<hbm>> -> memref<125xi32, #tpu.memory_space<hbm>>
          %dma_start3A_100 = arith.constant 0 : i32
          %dma_start3A_101 = tpu.memref_slice %arg8[%run_scoped3A_85, %dma_start3A_100] : memref<2x125xi32, #tpu.memory_space<vmem>> -> memref<1x125xi32, #tpu.memory_space<vmem>>
          %dma_start3A_102 = tpu.memref_squeeze %dma_start3A_101 : memref<1x125xi32, #tpu.memory_space<vmem>> -> memref<125xi32, #tpu.memory_space<vmem>>
          %dma_start3A_103 = arith.constant 0 : i32
          %dma_start3A_104 = tpu.memref_slice %arg3[%run_scoped3A_84, %add3A, %add3A_81, %dma_start3A_103] : memref<2x32x80x125xi32, #tpu.memory_space<hbm>> -> memref<1x1x1x125xi32, #tpu.memory_space<hbm>>
          %dma_start3A_105 = tpu.memref_squeeze %dma_start3A_104 : memref<1x1x1x125xi32, #tpu.memory_space<hbm>> -> memref<125xi32, #tpu.memory_space<hbm>>
          tpu.enqueue_dma source(%dma_start3A_105 : memref<125xi32, #tpu.memory_space<hbm>>) target(%dma_start3A_102 : memref<125xi32, #tpu.memory_space<vmem>>) target_semaphore(%run_scoped3A_93 : memref<!tpu.dma_semaphore, #tpu.memory_space<semaphore_mem>>)
          %dma_wait3A_106 = arith.constant 0 : i32
          %dma_wait3A_107 = tpu.memref_slice %arg8[%run_scoped3A_85, %dma_wait3A_106] : memref<2x125xi32, #tpu.memory_space<vmem>> -> memref<1x125xi32, #tpu.memory_space<vmem>>
          %dma_wait3A_108 = tpu.memref_squeeze %dma_wait3A_107 : memref<1x125xi32, #tpu.memory_space<vmem>> -> memref<125xi32, #tpu.memory_space<vmem>>
          %dma_wait3A_109 = arith.constant 0 : i32
          %dma_wait3A_110 = tpu.memref_slice %arg3[%run_scoped3A_84, %add3A, %add3A_81, %dma_wait3A_109] : memref<2x32x80x125xi32, #tpu.memory_space<hbm>> -> memref<1x1x1x125xi32, #tpu.memory_space<hbm>>
          %dma_wait3A_111 = tpu.memref_squeeze %dma_wait3A_110 : memref<1x1x1x125xi32, #tpu.memory_space<hbm>> -> memref<125xi32, #tpu.memory_space<hbm>>
          %dma_wait3A_112 = arith.constant 0 : i32
          %dma_wait3A_113 = tpu.memref_slice %arg8[%run_scoped3A_85, %dma_wait3A_112] : memref<2x125xi32, #tpu.memory_space<vmem>> -> memref<1x125xi32, #tpu.memory_space<vmem>>
          %dma_wait3A_114 = tpu.memref_squeeze %dma_wait3A_113 : memref<1x125xi32, #tpu.memory_space<vmem>> -> memref<125xi32, #tpu.memory_space<vmem>>
          %dma_wait3A_115 = arith.constant 0 : i32
          %dma_wait3A_116 = tpu.memref_slice %arg3[%run_scoped3A_84, %add3A, %add3A_81, %dma_wait3A_115] : memref<2x32x80x125xi32, #tpu.memory_space<hbm>> -> memref<1x1x1x125xi32, #tpu.memory_space<hbm>>
          %dma_wait3A_117 = tpu.memref_squeeze %dma_wait3A_116 : memref<1x1x1x125xi32, #tpu.memory_space<hbm>> -> memref<125xi32, #tpu.memory_space<hbm>>
          tpu.wait_dma2 semaphore(%run_scoped3A_93 : memref<!tpu.dma_semaphore, #tpu.memory_space<semaphore_mem>>) src(%dma_wait3A_117 : memref<125xi32, #tpu.memory_space<hbm>>) dst(%dma_wait3A_114 : memref<125xi32, #tpu.memory_space<vmem>>)
          tpu.yield
        }) : () -> ()
        %dma_start3A_86 = arith.constant 0 : i32
        %dma_start3A_87 = arith.constant 0 : i32
        %dma_start3A_88 = tpu.memref_slice %arg8[%dma_start3A_86, %dma_start3A_87] : memref<2x125xi32, #tpu.memory_space<vmem>> -> memref<1x125xi32, #tpu.memory_space<vmem>>
        %dma_start3A_89 = tpu.memref_squeeze %dma_start3A_88 : memref<1x125xi32, #tpu.memory_space<vmem>> -> memref<125xi32, #tpu.memory_space<vmem>>
        %dma_start3A_90 = arith.constant 0 : i32
        %dma_start3A_91 = arith.constant 0 : i32
        %dma_start3A_92 = tpu.memref_slice %arg2[%dma_start3A_90, %dma_start3A_91] : memref<10000x128xf32, #tpu.memory_space<hbm>> -> memref<10000x128xf32, #tpu.memory_space<hbm>>
        tpu.enqueue_indirect_dma source(%dma_start3A_92 : memref<10000x128xf32, #tpu.memory_space<hbm>>) target(%arg10 : memref<125x128xf32, #tpu.memory_space<vmem>>) offsets(%dma_start3A_89 : memref<125xi32, #tpu.memory_space<vmem>>) semaphore(%arg13 : memref<!tpu.dma_semaphore, #tpu.memory_space<semaphore_mem>>)
      } else {
      }
      %dma_wait3A_66 = arith.constant 1 : i32
      %dma_wait3A_67 = arith.constant 0 : i32
      %dma_wait3A_68 = tpu.memref_slice %arg9[%dma_wait3A_66, %dma_wait3A_67] : memref<2x125xi32, #tpu.memory_space<vmem>> -> memref<1x125xi32, #tpu.memory_space<vmem>>
      %dma_wait3A_69 = tpu.memref_squeeze %dma_wait3A_68 : memref<1x125xi32, #tpu.memory_space<vmem>> -> memref<125xi32, #tpu.memory_space<vmem>>
      %dma_wait3A_70 = arith.constant 0 : i32
      %dma_wait3A_71 = arith.constant 0 : i32
      %dma_wait3A_72 = tpu.memref_slice %arg12[%dma_wait3A_70, %dma_wait3A_71] : memref<10112x128xf32, #tpu.memory_space<vmem_shared>> -> memref<10112x128xf32, #tpu.memory_space<vmem_shared>>
      tpu.wait_indirect_dma semaphore(%arg16 : memref<!tpu.dma_semaphore, #tpu.memory_space<semaphore_mem>>) src(%arg11 : memref<125x128xf32, #tpu.memory_space<vmem>>) dst(%dma_wait3A_72 : memref<10112x128xf32, #tpu.memory_space<vmem_shared>>)
      %add3A_73 = arith.constant 3 : i32
      %add3A_74 = arith.addi %mul3A_34, %add3A_73 : i32
      %lt3A_75 = arith.constant 80 : i32
      %lt3A_76 = arith.cmpi slt, %add3A_74, %lt3A_75 : i32
      %convert_element_type3A_77 = arith.extui %lt3A_76 : i1 to i32
      %cond3A_78 = arith.constant 0 : i32
      %cond3A_79 = arith.cmpi ne, %convert_element_type3A_77, %cond3A_78 : i32
      scf.if %cond3A_79 {
        %add3A_80 = arith.constant 3 : i32
        %add3A_81 = arith.addi %mul3A_34, %add3A_80 : i32
        %run_scoped3A_82 = arith.constant 0 : i32
        %run_scoped3A_83 = arith.constant 0 : i32
        "tpu.region"() ({
          %run_scoped3A_86 = tpu.sem_alloc : memref<!tpu.dma_semaphore, #tpu.memory_space<semaphore_mem>>
          %dma_start3A_87 = arith.constant 0 : i32
          %dma_start3A_88 = tpu.memref_slice %arg9[%run_scoped3A_83, %dma_start3A_87] : memref<2x125xi32, #tpu.memory_space<vmem>> -> memref<1x125xi32, #tpu.memory_space<vmem>>
          %dma_start3A_89 = tpu.memref_squeeze %dma_start3A_88 : memref<1x125xi32, #tpu.memory_space<vmem>> -> memref<125xi32, #tpu.memory_space<vmem>>
          %dma_start3A_90 = arith.constant 0 : i32
          %dma_start3A_91 = tpu.memref_slice %arg3[%run_scoped3A_82, %add3A, %add3A_81, %dma_start3A_90] : memref<2x32x80x125xi32, #tpu.memory_space<hbm>> -> memref<1x1x1x125xi32, #tpu.memory_space<hbm>>
          %dma_start3A_92 = tpu.memref_squeeze %dma_start3A_91 : memref<1x1x1x125xi32, #tpu.memory_space<hbm>> -> memref<125xi32, #tpu.memory_space<hbm>>
          %dma_start3A_93 = arith.constant 0 : i32
          %dma_start3A_94 = tpu.memref_slice %arg9[%run_scoped3A_83, %dma_start3A_93] : memref<2x125xi32, #tpu.memory_space<vmem>> -> memref<1x125xi32, #tpu.memory_space<vmem>>
          %dma_start3A_95 = tpu.memref_squeeze %dma_start3A_94 : memref<1x125xi32, #tpu.memory_space<vmem>> -> memref<125xi32, #tpu.memory_space<vmem>>
          %dma_start3A_96 = arith.constant 0 : i32
          %dma_start3A_97 = tpu.memref_slice %arg3[%run_scoped3A_82, %add3A, %add3A_81, %dma_start3A_96] : memref<2x32x80x125xi32, #tpu.memory_space<hbm>> -> memref<1x1x1x125xi32, #tpu.memory_space<hbm>>
          %dma_start3A_98 = tpu.memref_squeeze %dma_start3A_97 : memref<1x1x1x125xi32, #tpu.memory_space<hbm>> -> memref<125xi32, #tpu.memory_space<hbm>>
          tpu.enqueue_dma source(%dma_start3A_98 : memref<125xi32, #tpu.memory_space<hbm>>) target(%dma_start3A_95 : memref<125xi32, #tpu.memory_space<vmem>>) target_semaphore(%run_scoped3A_86 : memref<!tpu.dma_semaphore, #tpu.memory_space<semaphore_mem>>)
          %dma_wait3A_99 = arith.constant 0 : i32
          %dma_wait3A_100 = tpu.memref_slice %arg9[%run_scoped3A_83, %dma_wait3A_99] : memref<2x125xi32, #tpu.memory_space<vmem>> -> memref<1x125xi32, #tpu.memory_space<vmem>>
          %dma_wait3A_101 = tpu.memref_squeeze %dma_wait3A_100 : memref<1x125xi32, #tpu.memory_space<vmem>> -> memref<125xi32, #tpu.memory_space<vmem>>
          %dma_wait3A_102 = arith.constant 0 : i32
          %dma_wait3A_103 = tpu.memref_slice %arg3[%run_scoped3A_82, %add3A, %add3A_81, %dma_wait3A_102] : memref<2x32x80x125xi32, #tpu.memory_space<hbm>> -> memref<1x1x1x125xi32, #tpu.memory_space<hbm>>
          %dma_wait3A_104 = tpu.memref_squeeze %dma_wait3A_103 : memref<1x1x1x125xi32, #tpu.memory_space<hbm>> -> memref<125xi32, #tpu.memory_space<hbm>>
          %dma_wait3A_105 = arith.constant 0 : i32
          %dma_wait3A_106 = tpu.memref_slice %arg9[%run_scoped3A_83, %dma_wait3A_105] : memref<2x125xi32, #tpu.memory_space<vmem>> -> memref<1x125xi32, #tpu.memory_space<vmem>>
          %dma_wait3A_107 = tpu.memref_squeeze %dma_wait3A_106 : memref<1x125xi32, #tpu.memory_space<vmem>> -> memref<125xi32, #tpu.memory_space<vmem>>
          %dma_wait3A_108 = arith.constant 0 : i32
          %dma_wait3A_109 = tpu.memref_slice %arg3[%run_scoped3A_82, %add3A, %add3A_81, %dma_wait3A_108] : memref<2x32x80x125xi32, #tpu.memory_space<hbm>> -> memref<1x1x1x125xi32, #tpu.memory_space<hbm>>
          %dma_wait3A_110 = tpu.memref_squeeze %dma_wait3A_109 : memref<1x1x1x125xi32, #tpu.memory_space<hbm>> -> memref<125xi32, #tpu.memory_space<hbm>>
          tpu.wait_dma2 semaphore(%run_scoped3A_86 : memref<!tpu.dma_semaphore, #tpu.memory_space<semaphore_mem>>) src(%dma_wait3A_110 : memref<125xi32, #tpu.memory_space<hbm>>) dst(%dma_wait3A_107 : memref<125xi32, #tpu.memory_space<vmem>>)
          tpu.yield
        }) : () -> ()
        %run_scoped3A_84 = arith.constant 1 : i32
        %run_scoped3A_85 = arith.constant 1 : i32
        "tpu.region"() ({
          %run_scoped3A_86 = tpu.sem_alloc : memref<!tpu.dma_semaphore, #tpu.memory_space<semaphore_mem>>
          %dma_start3A_87 = arith.constant 0 : i32
          %dma_start3A_88 = tpu.memref_slice %arg9[%run_scoped3A_85, %dma_start3A_87] : memref<2x125xi32, #tpu.memory_space<vmem>> -> memref<1x125xi32, #tpu.memory_space<vmem>>
          %dma_start3A_89 = tpu.memref_squeeze %dma_start3A_88 : memref<1x125xi32, #tpu.memory_space<vmem>> -> memref<125xi32, #tpu.memory_space<vmem>>
          %dma_start3A_90 = arith.constant 0 : i32
          %dma_start3A_91 = tpu.memref_slice %arg3[%run_scoped3A_84, %add3A, %add3A_81, %dma_start3A_90] : memref<2x32x80x125xi32, #tpu.memory_space<hbm>> -> memref<1x1x1x125xi32, #tpu.memory_space<hbm>>
          %dma_start3A_92 = tpu.memref_squeeze %dma_start3A_91 : memref<1x1x1x125xi32, #tpu.memory_space<hbm>> -> memref<125xi32, #tpu.memory_space<hbm>>
          %dma_start3A_93 = arith.constant 0 : i32
          %dma_start3A_94 = tpu.memref_slice %arg9[%run_scoped3A_85, %dma_start3A_93] : memref<2x125xi32, #tpu.memory_space<vmem>> -> memref<1x125xi32, #tpu.memory_space<vmem>>
          %dma_start3A_95 = tpu.memref_squeeze %dma_start3A_94 : memref<1x125xi32, #tpu.memory_space<vmem>> -> memref<125xi32, #tpu.memory_space<vmem>>
          %dma_start3A_96 = arith.constant 0 : i32
          %dma_start3A_97 = tpu.memref_slice %arg3[%run_scoped3A_84, %add3A, %add3A_81, %dma_start3A_96] : memref<2x32x80x125xi32, #tpu.memory_space<hbm>> -> memref<1x1x1x125xi32, #tpu.memory_space<hbm>>
          %dma_start3A_98 = tpu.memref_squeeze %dma_start3A_97 : memref<1x1x1x125xi32, #tpu.memory_space<hbm>> -> memref<125xi32, #tpu.memory_space<hbm>>
          tpu.enqueue_dma source(%dma_start3A_98 : memref<125xi32, #tpu.memory_space<hbm>>) target(%dma_start3A_95 : memref<125xi32, #tpu.memory_space<vmem>>) target_semaphore(%run_scoped3A_86 : memref<!tpu.dma_semaphore, #tpu.memory_space<semaphore_mem>>)
          %dma_wait3A_99 = arith.constant 0 : i32
          %dma_wait3A_100 = tpu.memref_slice %arg9[%run_scoped3A_85, %dma_wait3A_99] : memref<2x125xi32, #tpu.memory_space<vmem>> -> memref<1x125xi32, #tpu.memory_space<vmem>>
          %dma_wait3A_101 = tpu.memref_squeeze %dma_wait3A_100 : memref<1x125xi32, #tpu.memory_space<vmem>> -> memref<125xi32, #tpu.memory_space<vmem>>
          %dma_wait3A_102 = arith.constant 0 : i32
          %dma_wait3A_103 = tpu.memref_slice %arg3[%run_scoped3A_84, %add3A, %add3A_81, %dma_wait3A_102] : memref<2x32x80x125xi32, #tpu.memory_space<hbm>> -> memref<1x1x1x125xi32, #tpu.memory_space<hbm>>
          %dma_wait3A_104 = tpu.memref_squeeze %dma_wait3A_103 : memref<1x1x1x125xi32, #tpu.memory_space<hbm>> -> memref<125xi32, #tpu.memory_space<hbm>>
          %dma_wait3A_105 = arith.constant 0 : i32
          %dma_wait3A_106 = tpu.memref_slice %arg9[%run_scoped3A_85, %dma_wait3A_105] : memref<2x125xi32, #tpu.memory_space<vmem>> -> memref<1x125xi32, #tpu.memory_space<vmem>>
          %dma_wait3A_107 = tpu.memref_squeeze %dma_wait3A_106 : memref<1x125xi32, #tpu.memory_space<vmem>> -> memref<125xi32, #tpu.memory_space<vmem>>
          %dma_wait3A_108 = arith.constant 0 : i32
          %dma_wait3A_109 = tpu.memref_slice %arg3[%run_scoped3A_84, %add3A, %add3A_81, %dma_wait3A_108] : memref<2x32x80x125xi32, #tpu.memory_space<hbm>> -> memref<1x1x1x125xi32, #tpu.memory_space<hbm>>
          %dma_wait3A_110 = tpu.memref_squeeze %dma_wait3A_109 : memref<1x1x1x125xi32, #tpu.memory_space<hbm>> -> memref<125xi32, #tpu.memory_space<hbm>>
          tpu.wait_dma2 semaphore(%run_scoped3A_86 : memref<!tpu.dma_semaphore, #tpu.memory_space<semaphore_mem>>) src(%dma_wait3A_110 : memref<125xi32, #tpu.memory_space<hbm>>) dst(%dma_wait3A_107 : memref<125xi32, #tpu.memory_space<vmem>>)
          tpu.yield
        }) : () -> ()
      } else {
      }
    }
    %scan3A_26 = arith.constant 40 : i32
    %barrier3A_27 = arith.constant 0 : index
    tpu.barrier barrier_id(%barrier3A_27)
    %mul3A_28 = arith.constant 632 : i32
    %mul3A_29 = arith.muli %arg1, %mul3A_28 : i32
    %mul3A_30 = arith.constant 632 : i32
    %mul3A_31 = arith.muli %arg1, %mul3A_30 : i32
    "tpu.region"() ({
      %run_scoped3A_32 = tpu.sem_alloc : memref<!tpu.dma_semaphore, #tpu.memory_space<semaphore_mem>>
      %dma_start3A_33 = arith.constant 0 : i32
      %dma_start3A_34 = tpu.memref_slice %arg7[%arg0, %mul3A_31, %dma_start3A_33] : memref<2x10112x128xf32, #tpu.memory_space<hbm>> -> memref<1x632x128xf32, #tpu.memory_space<hbm>>
      %dma_start3A_35 = tpu.memref_squeeze %dma_start3A_34 : memref<1x632x128xf32, #tpu.memory_space<hbm>> -> memref<632x128xf32, #tpu.memory_space<hbm>>
      %dma_start3A_36 = arith.constant 0 : i32
      %dma_start3A_37 = tpu.memref_slice %arg12[%mul3A_29, %dma_start3A_36] : memref<10112x128xf32, #tpu.memory_space<vmem_shared>> -> memref<632x128xf32, #tpu.memory_space<vmem_shared>>
      tpu.enqueue_dma source(%dma_start3A_37 : memref<632x128xf32, #tpu.memory_space<vmem_shared>>) target(%dma_start3A_35 : memref<632x128xf32, #tpu.memory_space<hbm>>) target_semaphore(%run_scoped3A_32 : memref<!tpu.dma_semaphore, #tpu.memory_space<semaphore_mem>>)
      %dma_wait3A = arith.constant 0 : i32
      %dma_wait3A_38 = tpu.memref_slice %arg7[%arg0, %mul3A_31, %dma_wait3A] : memref<2x10112x128xf32, #tpu.memory_space<hbm>> -> memref<1x632x128xf32, #tpu.memory_space<hbm>>
      %dma_wait3A_39 = tpu.memref_squeeze %dma_wait3A_38 : memref<1x632x128xf32, #tpu.memory_space<hbm>> -> memref<632x128xf32, #tpu.memory_space<hbm>>
      %dma_wait3A_40 = arith.constant 0 : i32
      %dma_wait3A_41 = tpu.memref_slice %arg12[%mul3A_29, %dma_wait3A_40] : memref<10112x128xf32, #tpu.memory_space<vmem_shared>> -> memref<632x128xf32, #tpu.memory_space<vmem_shared>>
      tpu.wait_dma2 semaphore(%run_scoped3A_32 : memref<!tpu.dma_semaphore, #tpu.memory_space<semaphore_mem>>) src(%dma_wait3A_41 : memref<632x128xf32, #tpu.memory_space<vmem_shared>>) dst(%dma_wait3A_39 : memref<632x128xf32, #tpu.memory_space<hbm>>)
      tpu.yield
    }) : () -> ()
    return
  }
}

module attributes {stable_mosaic.version = 14 : i64} {
  func.func @_pre_body(%arg0: memref<10000x128xf32, #tpu.memory_space<vmem>>, %arg1: memref<128x128xf32, #tpu.memory_space<vmem>>, %arg2: memref<128x128xf32, #tpu.memory_space<vmem>>, %arg3: memref<1x128xf32, #tpu.memory_space<vmem>>, %arg4: memref<10000x128xf32, #tpu.memory_space<vmem>>, %arg5: memref<10000x128xf32, #tpu.memory_space<vmem>>) attributes {dimension_semantics = [], scalar_prefetch = 0 : i64, scratch_operands = 0 : i64, tpu.core_type = #tpu.core_type<tc>} {
    %get3A = arith.constant 0 : index
    %get3A_0 = arith.constant 0 : index
    %get3A_1 = vector.load %arg0[%get3A, %get3A_0] : memref<10000x128xf32, #tpu.memory_space<vmem>>, vector<10000x128xf32>
    %get3A_2 = arith.constant 0 : index
    %get3A_3 = arith.constant 0 : index
    %get3A_4 = vector.load %arg1[%get3A_2, %get3A_3] : memref<128x128xf32, #tpu.memory_space<vmem>>, vector<128x128xf32>
    %dot_general3A = arith.constant dense<0.000000e+00> : vector<10000x128xf32>
    %dot_general3A_5 = tpu.matmul %get3A_1, %get3A_4, %dot_general3A {dimension_numbers = #tpu.dot_dimension_numbers<[1], [0], [0], [1], [0, 0, 1, 1], [], []>, transpose_lhs_hint = false} : vector<10000x128xf32>, vector<128x128xf32>, vector<10000x128xf32> -> vector<10000x128xf32>
    %swap3A = arith.constant 0 : index
    %swap3A_6 = arith.constant 0 : index
    %swap3A_7 = vector.load %arg4[%swap3A, %swap3A_6] : memref<10000x128xf32, #tpu.memory_space<vmem>>, vector<10000x128xf32>
    tpu.vector_store %arg4[%swap3A, %swap3A_6], %dot_general3A_5 {strides = array<i32>} : memref<10000x128xf32, #tpu.memory_space<vmem>>, vector<10000x128xf32>,
    %get3A_8 = arith.constant 0 : index
    %get3A_9 = arith.constant 0 : index
    %get3A_10 = vector.load %arg2[%get3A_8, %get3A_9] : memref<128x128xf32, #tpu.memory_space<vmem>>, vector<128x128xf32>
    %dot_general3A_11 = arith.constant dense<0.000000e+00> : vector<10000x128xf32>
    %dot_general3A_12 = tpu.matmul %get3A_1, %get3A_10, %dot_general3A_11 {dimension_numbers = #tpu.dot_dimension_numbers<[1], [0], [0], [1], [0, 0, 1, 1], [], []>, transpose_lhs_hint = false} : vector<10000x128xf32>, vector<128x128xf32>, vector<10000x128xf32> -> vector<10000x128xf32>
    %get3A_13 = arith.constant 0 : index
    %get3A_14 = arith.constant 0 : index
    %get3A_15 = vector.load %arg3[%get3A_13, %get3A_14] : memref<1x128xf32, #tpu.memory_space<vmem>>, vector<1x128xf32>
    %add3A = vector.broadcast %get3A_15 : vector<1x128xf32> to vector<10000x128xf32>
    %add3A_16 = arith.addf %dot_general3A_12, %add3A : vector<10000x128xf32>
    %swap3A_17 = arith.constant 0 : index
    %swap3A_18 = arith.constant 0 : index
    %swap3A_19 = vector.load %arg5[%swap3A_17, %swap3A_18] : memref<10000x128xf32, #tpu.memory_space<vmem>>, vector<10000x128xf32>
    tpu.vector_store %arg5[%swap3A_17, %swap3A_18], %add3A_16 {strides = array<i32>} : memref<10000x128xf32, #tpu.memory_space<vmem>>, vector<10000x128xf32>,
    return
  }
}

module attributes {stable_mosaic.version = 14 : i64} {
  func.func @_mid_body(%arg0: memref<2x10112x128xf32, #tpu.memory_space<vmem>>, %arg1: memref<2x10112x16xf32, #tpu.memory_space<vmem>>, %arg2: memref<10000x128xf32, #tpu.memory_space<vmem>>, %arg3: memref<1x128xf32, #tpu.memory_space<vmem>>, %arg4: memref<1x128xf32, #tpu.memory_space<vmem>>, %arg5: memref<128x128xf32, #tpu.memory_space<vmem>>, %arg6: memref<128x128xf32, #tpu.memory_space<vmem>>, %arg7: memref<1x128xf32, #tpu.memory_space<vmem>>, %arg8: memref<10000x128xf32, #tpu.memory_space<vmem>>, %arg9: memref<10000x128xf32, #tpu.memory_space<vmem>>) attributes {dimension_semantics = [], scalar_prefetch = 0 : i64, scratch_operands = 0 : i64, tpu.core_type = #tpu.core_type<tc>} {
    %get3A = arith.constant 0 : index
    %get3A_0 = arith.constant 0 : index
    %get3A_1 = arith.constant 0 : index
    %get3A_2 = vector.load %arg0[%get3A, %get3A_0, %get3A_1] : memref<2x10112x128xf32, #tpu.memory_space<vmem>>, vector<1x10000x128xf32>
    %get3A_3 = vector.shape_cast %get3A_2 : vector<1x10000x128xf32> to vector<10000x128xf32>
    %get3A_4 = arith.constant 1 : index
    %get3A_5 = arith.constant 0 : index
    %get3A_6 = arith.constant 0 : index
    %get3A_7 = vector.load %arg0[%get3A_4, %get3A_5, %get3A_6] : memref<2x10112x128xf32, #tpu.memory_space<vmem>>, vector<1x10000x128xf32>
    %get3A_8 = vector.shape_cast %get3A_7 : vector<1x10000x128xf32> to vector<10000x128xf32>
    %add3A = arith.addf %get3A_3, %get3A_8 : vector<10000x128xf32>
    %get3A_9 = arith.constant 0 : index
    %get3A_10 = arith.constant 0 : index
    %get3A_11 = arith.constant 0 : index
    %get3A_12 = vector.load %arg1[%get3A_9, %get3A_10, %get3A_11] : memref<2x10112x16xf32, #tpu.memory_space<vmem>>, vector<1x10000x1xf32>
    %get3A_13 = vector.shape_cast %get3A_12 : vector<1x10000x1xf32> to vector<10000x1xf32>
    %get3A_14 = arith.constant 1 : index
    %get3A_15 = arith.constant 0 : index
    %get3A_16 = arith.constant 0 : index
    %get3A_17 = vector.load %arg1[%get3A_14, %get3A_15, %get3A_16] : memref<2x10112x16xf32, #tpu.memory_space<vmem>>, vector<1x10000x1xf32>
    %get3A_18 = vector.shape_cast %get3A_17 : vector<1x10000x1xf32> to vector<10000x1xf32>
    %add3A_19 = arith.addf %get3A_13, %get3A_18 : vector<10000x1xf32>
    %max3A = arith.constant 1.000000e+00 : f32
    %max3A_20 = vector.broadcast %max3A : f32 to vector<10000x1xf32>
    %max3A_21 = arith.maximumf %add3A_19, %max3A_20 : vector<10000x1xf32>
    %div3A = vector.broadcast %max3A_21 : vector<10000x1xf32> to vector<10000x128xf32>
    %div3A_22 = arith.divf %add3A, %div3A : vector<10000x128xf32>
    %get3A_23 = arith.constant 0 : index
    %get3A_24 = arith.constant 0 : index
    %get3A_25 = vector.load %arg2[%get3A_23, %get3A_24] : memref<10000x128xf32, #tpu.memory_space<vmem>>, vector<10000x128xf32>
    %add3A_26 = arith.addf %div3A_22, %get3A_25 : vector<10000x128xf32>
    %reduce_sum3A = arith.constant dense<0.000000e+00> : vector<128xf32>
    %reduce_sum3A_27 = vector.multi_reduction <add>, %add3A_26, %reduce_sum3A [0] : vector<10000x128xf32> to vector<128xf32>
    %broadcast_in_dim3A = vector.shape_cast %reduce_sum3A_27 : vector<128xf32> to vector<1x128xf32>
    %div3A_28 = arith.constant 1.000000e+04 : f32
    %div3A_29 = vector.broadcast %div3A_28 : f32 to vector<1x128xf32>
    %div3A_30 = arith.divf %broadcast_in_dim3A, %div3A_29 : vector<1x128xf32>
    %sub3A = vector.broadcast %div3A_30 : vector<1x128xf32> to vector<10000x128xf32>
    %sub3A_31 = arith.subf %add3A_26, %sub3A : vector<10000x128xf32>
    %sub3A_32 = vector.broadcast %div3A_30 : vector<1x128xf32> to vector<10000x128xf32>
    %sub3A_33 = arith.subf %add3A_26, %sub3A_32 : vector<10000x128xf32>
    %mul3A = arith.mulf %sub3A_31, %sub3A_33 : vector<10000x128xf32>
    %reduce_sum3A_34 = arith.constant dense<0.000000e+00> : vector<128xf32>
    %reduce_sum3A_35 = vector.multi_reduction <add>, %mul3A, %reduce_sum3A_34 [0] : vector<10000x128xf32> to vector<128xf32>
    %broadcast_in_dim3A_36 = vector.shape_cast %reduce_sum3A_35 : vector<128xf32> to vector<1x128xf32>
    %div3A_37 = arith.constant 1.000000e+04 : f32
    %div3A_38 = vector.broadcast %div3A_37 : f32 to vector<1x128xf32>
    %div3A_39 = arith.divf %broadcast_in_dim3A_36, %div3A_38 : vector<1x128xf32>
    %sub3A_40 = vector.broadcast %div3A_30 : vector<1x128xf32> to vector<10000x128xf32>
    %sub3A_41 = arith.subf %add3A_26, %sub3A_40 : vector<10000x128xf32>
    %add3A_42 = arith.constant 9.99999974E-6 : f32
    %add3A_43 = vector.broadcast %add3A_42 : f32 to vector<1x128xf32>
    %add3A_44 = arith.addf %div3A_39, %add3A_43 : vector<1x128xf32>
    %rsqrt3A = math.rsqrt %add3A_44 : vector<1x128xf32>
    %mul3A_45 = vector.broadcast %rsqrt3A : vector<1x128xf32> to vector<10000x128xf32>
    %mul3A_46 = arith.mulf %sub3A_41, %mul3A_45 : vector<10000x128xf32>
    %get3A_47 = arith.constant 0 : index
    %get3A_48 = arith.constant 0 : index
    %get3A_49 = vector.load %arg3[%get3A_47, %get3A_48] : memref<1x128xf32, #tpu.memory_space<vmem>>, vector<1x128xf32>
    %mul3A_50 = vector.broadcast %get3A_49 : vector<1x128xf32> to vector<10000x128xf32>
    %mul3A_51 = arith.mulf %mul3A_46, %mul3A_50 : vector<10000x128xf32>
    %get3A_52 = arith.constant 0 : index
    %get3A_53 = arith.constant 0 : index
    %get3A_54 = vector.load %arg4[%get3A_52, %get3A_53] : memref<1x128xf32, #tpu.memory_space<vmem>>, vector<1x128xf32>
    %add3A_55 = vector.broadcast %get3A_54 : vector<1x128xf32> to vector<10000x128xf32>
    %add3A_56 = arith.addf %mul3A_51, %add3A_55 : vector<10000x128xf32>
    %max3A_57 = arith.constant 0.000000e+00 : f32
    %max3A_58 = vector.broadcast %max3A_57 : f32 to vector<10000x128xf32>
    %max3A_59 = arith.maximumf %add3A_56, %max3A_58 : vector<10000x128xf32>
    %get3A_60 = arith.constant 0 : index
    %get3A_61 = arith.constant 0 : index
    %get3A_62 = vector.load %arg5[%get3A_60, %get3A_61] : memref<128x128xf32, #tpu.memory_space<vmem>>, vector<128x128xf32>
    %dot_general3A = arith.constant dense<0.000000e+00> : vector<10000x128xf32>
    %dot_general3A_63 = tpu.matmul %max3A_59, %get3A_62, %dot_general3A {dimension_numbers = #tpu.dot_dimension_numbers<[1], [0], [0], [1], [0, 0, 1, 1], [], []>, transpose_lhs_hint = false} : vector<10000x128xf32>, vector<128x128xf32>, vector<10000x128xf32> -> vector<10000x128xf32>
    %swap3A = arith.constant 0 : index
    %swap3A_64 = arith.constant 0 : index
    %swap3A_65 = vector.load %arg8[%swap3A, %swap3A_64] : memref<10000x128xf32, #tpu.memory_space<vmem>>, vector<10000x128xf32>
    tpu.vector_store %arg8[%swap3A, %swap3A_64], %dot_general3A_63 {strides = array<i32>} : memref<10000x128xf32, #tpu.memory_space<vmem>>, vector<10000x128xf32>,
    %get3A_66 = arith.constant 0 : index
    %get3A_67 = arith.constant 0 : index
    %get3A_68 = vector.load %arg6[%get3A_66, %get3A_67] : memref<128x128xf32, #tpu.memory_space<vmem>>, vector<128x128xf32>
    %dot_general3A_69 = arith.constant dense<0.000000e+00> : vector<10000x128xf32>
    %dot_general3A_70 = tpu.matmul %max3A_59, %get3A_68, %dot_general3A_69 {dimension_numbers = #tpu.dot_dimension_numbers<[1], [0], [0], [1], [0, 0, 1, 1], [], []>, transpose_lhs_hint = false} : vector<10000x128xf32>, vector<128x128xf32>, vector<10000x128xf32> -> vector<10000x128xf32>
    %get3A_71 = arith.constant 0 : index
    %get3A_72 = arith.constant 0 : index
    %get3A_73 = vector.load %arg7[%get3A_71, %get3A_72] : memref<1x128xf32, #tpu.memory_space<vmem>>, vector<1x128xf32>
    %add3A_74 = vector.broadcast %get3A_73 : vector<1x128xf32> to vector<10000x128xf32>
    %add3A_75 = arith.addf %dot_general3A_70, %add3A_74 : vector<10000x128xf32>
    %swap3A_76 = arith.constant 0 : index
    %swap3A_77 = arith.constant 0 : index
    %swap3A_78 = vector.load %arg9[%swap3A_76, %swap3A_77] : memref<10000x128xf32, #tpu.memory_space<vmem>>, vector<10000x128xf32>
    tpu.vector_store %arg9[%swap3A_76, %swap3A_77], %add3A_75 {strides = array<i32>} : memref<10000x128xf32, #tpu.memory_space<vmem>>, vector<10000x128xf32>,
    return
  }
}

module attributes {stable_mosaic.version = 14 : i64} {
  func.func @_bnact_body(%arg0: memref<2x10112x128xf32, #tpu.memory_space<vmem>>, %arg1: memref<2x10112x16xf32, #tpu.memory_space<vmem>>, %arg2: memref<10000x128xf32, #tpu.memory_space<vmem>>, %arg3: memref<1x128xf32, #tpu.memory_space<vmem>>, %arg4: memref<1x128xf32, #tpu.memory_space<vmem>>, %arg5: memref<10000x128xf32, #tpu.memory_space<vmem>>) attributes {dimension_semantics = [], scalar_prefetch = 0 : i64, scratch_operands = 0 : i64, tpu.core_type = #tpu.core_type<tc>} {
    %get3A = arith.constant 0 : index
    %get3A_0 = arith.constant 0 : index
    %get3A_1 = arith.constant 0 : index
    %get3A_2 = vector.load %arg0[%get3A, %get3A_0, %get3A_1] : memref<2x10112x128xf32, #tpu.memory_space<vmem>>, vector<1x10000x128xf32>
    %get3A_3 = vector.shape_cast %get3A_2 : vector<1x10000x128xf32> to vector<10000x128xf32>
    %get3A_4 = arith.constant 1 : index
    %get3A_5 = arith.constant 0 : index
    %get3A_6 = arith.constant 0 : index
    %get3A_7 = vector.load %arg0[%get3A_4, %get3A_5, %get3A_6] : memref<2x10112x128xf32, #tpu.memory_space<vmem>>, vector<1x10000x128xf32>
    %get3A_8 = vector.shape_cast %get3A_7 : vector<1x10000x128xf32> to vector<10000x128xf32>
    %add3A = arith.addf %get3A_3, %get3A_8 : vector<10000x128xf32>
    %get3A_9 = arith.constant 0 : index
    %get3A_10 = arith.constant 0 : index
    %get3A_11 = arith.constant 0 : index
    %get3A_12 = vector.load %arg1[%get3A_9, %get3A_10, %get3A_11] : memref<2x10112x16xf32, #tpu.memory_space<vmem>>, vector<1x10000x1xf32>
    %get3A_13 = vector.shape_cast %get3A_12 : vector<1x10000x1xf32> to vector<10000x1xf32>
    %get3A_14 = arith.constant 1 : index
    %get3A_15 = arith.constant 0 : index
    %get3A_16 = arith.constant 0 : index
    %get3A_17 = vector.load %arg1[%get3A_14, %get3A_15, %get3A_16] : memref<2x10112x16xf32, #tpu.memory_space<vmem>>, vector<1x10000x1xf32>
    %get3A_18 = vector.shape_cast %get3A_17 : vector<1x10000x1xf32> to vector<10000x1xf32>
    %add3A_19 = arith.addf %get3A_13, %get3A_18 : vector<10000x1xf32>
    %max3A = arith.constant 1.000000e+00 : f32
    %max3A_20 = vector.broadcast %max3A : f32 to vector<10000x1xf32>
    %max3A_21 = arith.maximumf %add3A_19, %max3A_20 : vector<10000x1xf32>
    %div3A = vector.broadcast %max3A_21 : vector<10000x1xf32> to vector<10000x128xf32>
    %div3A_22 = arith.divf %add3A, %div3A : vector<10000x128xf32>
    %get3A_23 = arith.constant 0 : index
    %get3A_24 = arith.constant 0 : index
    %get3A_25 = vector.load %arg2[%get3A_23, %get3A_24] : memref<10000x128xf32, #tpu.memory_space<vmem>>, vector<10000x128xf32>
    %add3A_26 = arith.addf %div3A_22, %get3A_25 : vector<10000x128xf32>
    %reduce_sum3A = arith.constant dense<0.000000e+00> : vector<128xf32>
    %reduce_sum3A_27 = vector.multi_reduction <add>, %add3A_26, %reduce_sum3A [0] : vector<10000x128xf32> to vector<128xf32>
    %broadcast_in_dim3A = vector.shape_cast %reduce_sum3A_27 : vector<128xf32> to vector<1x128xf32>
    %div3A_28 = arith.constant 1.000000e+04 : f32
    %div3A_29 = vector.broadcast %div3A_28 : f32 to vector<1x128xf32>
    %div3A_30 = arith.divf %broadcast_in_dim3A, %div3A_29 : vector<1x128xf32>
    %sub3A = vector.broadcast %div3A_30 : vector<1x128xf32> to vector<10000x128xf32>
    %sub3A_31 = arith.subf %add3A_26, %sub3A : vector<10000x128xf32>
    %sub3A_32 = vector.broadcast %div3A_30 : vector<1x128xf32> to vector<10000x128xf32>
    %sub3A_33 = arith.subf %add3A_26, %sub3A_32 : vector<10000x128xf32>
    %mul3A = arith.mulf %sub3A_31, %sub3A_33 : vector<10000x128xf32>
    %reduce_sum3A_34 = arith.constant dense<0.000000e+00> : vector<128xf32>
    %reduce_sum3A_35 = vector.multi_reduction <add>, %mul3A, %reduce_sum3A_34 [0] : vector<10000x128xf32> to vector<128xf32>
    %broadcast_in_dim3A_36 = vector.shape_cast %reduce_sum3A_35 : vector<128xf32> to vector<1x128xf32>
    %div3A_37 = arith.constant 1.000000e+04 : f32
    %div3A_38 = vector.broadcast %div3A_37 : f32 to vector<1x128xf32>
    %div3A_39 = arith.divf %broadcast_in_dim3A_36, %div3A_38 : vector<1x128xf32>
    %sub3A_40 = vector.broadcast %div3A_30 : vector<1x128xf32> to vector<10000x128xf32>
    %sub3A_41 = arith.subf %add3A_26, %sub3A_40 : vector<10000x128xf32>
    %add3A_42 = arith.constant 9.99999974E-6 : f32
    %add3A_43 = vector.broadcast %add3A_42 : f32 to vector<1x128xf32>
    %add3A_44 = arith.addf %div3A_39, %add3A_43 : vector<1x128xf32>
    %rsqrt3A = math.rsqrt %add3A_44 : vector<1x128xf32>
    %mul3A_45 = vector.broadcast %rsqrt3A : vector<1x128xf32> to vector<10000x128xf32>
    %mul3A_46 = arith.mulf %sub3A_41, %mul3A_45 : vector<10000x128xf32>
    %get3A_47 = arith.constant 0 : index
    %get3A_48 = arith.constant 0 : index
    %get3A_49 = vector.load %arg3[%get3A_47, %get3A_48] : memref<1x128xf32, #tpu.memory_space<vmem>>, vector<1x128xf32>
    %mul3A_50 = vector.broadcast %get3A_49 : vector<1x128xf32> to vector<10000x128xf32>
    %mul3A_51 = arith.mulf %mul3A_46, %mul3A_50 : vector<10000x128xf32>
    %get3A_52 = arith.constant 0 : index
    %get3A_53 = arith.constant 0 : index
    %get3A_54 = vector.load %arg4[%get3A_52, %get3A_53] : memref<1x128xf32, #tpu.memory_space<vmem>>, vector<1x128xf32>
    %add3A_55 = vector.broadcast %get3A_54 : vector<1x128xf32> to vector<10000x128xf32>
    %add3A_56 = arith.addf %mul3A_51, %add3A_55 : vector<10000x128xf32>
    %swap3A = arith.constant 0 : index
    %swap3A_57 = arith.constant 0 : index
    %swap3A_58 = vector.load %arg5[%swap3A, %swap3A_57] : memref<10000x128xf32, #tpu.memory_space<vmem>>, vector<10000x128xf32>
    tpu.vector_store %arg5[%swap3A, %swap3A_57], %add3A_56 {strides = array<i32>} : memref<10000x128xf32, #tpu.memory_space<vmem>>, vector<10000x128xf32>,
    return
  }
}

</mosaic_0001>

<sc_bundles>
// kernel: kernel.10.cloned.1.call-start
scs
__scs_entry_jumppad:
0x0: {  	(pc) =	sbr.rel $0x88, $3  }
0x1: {  	(tag) =	ssettag $0x0;
	lr =	simm.s32 $0x1  }
0x2: {  	[smem:$0x3F95] =	sst lr;
	_ =	strace $0xD0000000  }
0x3: {  	_ = 	snop  }
0x4: {  	_ = 	snop  }
0x5: {  	_ = 	snop  }
0x6: {  	_ = 	snop  }
0x7: {  	_ = 	snop  }
__scs_overlays_trampoline_lowered:
0x8: {  	[smem:$0x3FA4] =	sst s0  }
0x9: {  	[smem:$0x3FA5] =	sst s1  }
0xa: {  	[smem:$0x3FA6] =	sst s2  }
0xb: {  	[smem:$0x3FA7] =	sst s3  }
0xc: {  	[smem:$0x3FA8] =	sst s4  }
0xd: {  	[smem:$0x3FA9] =	sst s5  }
0xe: {  	[smem:$0x3FAA] =	sst s6  }
0xf: {  	[smem:$0x3FAB] =	sst s7  }
0x10: {  	[smem:$0x3FAC] =	sst s8  }
0x11: {  	[smem:$0x3FAD] =	sst s9;
	s0 =	simm.s32 @!p0 $0x0  }
0x12: {  	s1 =	sld [smem:$0x3F93];
	s0 =	simm.s32 @p0 $0x1  }
0x13: {  	[smem:$0x3FAE] =	sst s0;
	s0 =	simm.s32 @!p1 $0x0  }
0x14: {  	s2 =	sld [smem:$0x3F92];
	s0 =	simm.s32 @p1 $0x1  }
0x15: {  	[smem:$0x3FAF] =	sst s0;
	s0 =	simm.s32 @!p2 $0x0  }
0x16: {  	s3 =	sld [smem:$0x3FDB];
	s0 =	simm.s32 @p2 $0x1  }
0x17: {  	s4 =	simm.s32 $0x1BF5;
	[smem:$0x3FB1] =	sst s0  }
0x18: {  	s0 =	sld [smem:$0x3F94];
	_ =	swait.ge [sflag:s4], $0x0  }
0x19: {  	s7 =	sld [smem:$0x3F95]  }
0x1a: {  	s8 =	sadd.s32 $0xFFFFE003, lr  }
0x1b: {  	s9 =	sadd.s32 $0xFFFFFEF7, lr;
	s5 =	simm.s32 $0xFFFFFFFF;
	p2 =	slt.u32 s8, $0xFFFFF086  }
0x1c: {  	p1 =	slt.u32 s9, $0xF7A;
	s5 =	simm.s32 @!p2 $0x0  }
0x1d: {  	s5 =	simm.s32 @p1 $0x1;
	p0 =	seq.s32 s7, s2  }
0x1e: {  	s7 =	smul.u32 @!p0 $0xF7A, s2;
	p2 =	seq.s32 @!p0 s5, $0x0  }
0x1f: {  	s9 =	smul.u32 $0xF7A, s1;
	s8 =	simm.s32 @!p0 $0x1BF5;
	p2 =	por !p2, p0  }
0x20: {  	[sflag:s8] =	ssyncset.s32 @!p0 $0xFFFFF086;
	s6 =	sadd.s32 @!p0 s3, s7;
	s7 =	simm.s32 @!p0 $0x108  }
0x21: {  	s3 =	sadd.s32 s3, s9;
	s6 =	sadd.s32 @!p0 $0x88, s6;
	s7 =	simm.s32 @p2 $0x1082  }
0x22: {  	[simem:s7], [sflag:s8] =	dma.local @!p0 [hbm:s6], $0xF7A  }
0x23: {  	s9 =	sor.u32 $0xD0000000, s2;
	s6 =	simm.s32 $0x108;
	_ =	swait.ge @!p0 [sflag:s8], $0x0  }
0x24: {  	s3 =	sadd.s32 $0x88, s3;
	s6 =	simm.s32 @!p1 $0x1082;
	[sflag:s4] =	ssyncset.s32 $0xFFFFF086  }
0x25: {  	[simem:s6], [sflag:s4] =	dma.local [hbm:s3], $0xF7A  }
0x26: {  	[smem:$0x3F95] =	sst s1;
	(tag) =	ssettag s2;
	_ =	strace s9  }
0x27: {  	s1 =	sld [smem:$0x3FA5]  }
0x28: {  	s2 =	sld [smem:$0x3FA6]  }
0x29: {  	s4 =	sld [smem:$0x3FA8]  }
0x2a: {  	p0 =	seq.s32 s5, $0x0;
	s5 =	sld [smem:$0x3FA9]  }
0x2b: {  	s6 =	sld [smem:$0x3FAA]  }
0x2c: {  	s7 =	sld [smem:$0x3FAB]  }
0x2d: {  	s3 =	simm.s32 $0x108;
	s8 =	sld [smem:$0x3FAC]  }
0x2e: {  	s3 =	simm.s32 @!p0 $0x1082;
	s9 =	sld [smem:$0x3FAD]  }
0x2f: {  	lr =	sadd.s32 s0, s3;
	s0 =	sld [smem:$0x3FA4]  }
0x30: {  	s3 =	sld [smem:$0x3FA7]  }
0x31: {  	[smem:$0x3FB0] =	sst s10  }
0x32: {  	s10 =	sld [smem:$0x3FAE];
	_ =	sdelay $0x3  }
0x33: {  	p0 =	seq.s32 s10, $0x1;
	s10 =	sld [smem:$0x3FB0];
	_ =	sdelay $0x3  }
0x34: {  	[smem:$0x3FB0] =	sst s10  }
0x35: {  	s10 =	sld [smem:$0x3FAF];
	_ =	sdelay $0x3  }
0x36: {  	p1 =	seq.s32 s10, $0x1;
	s10 =	sld [smem:$0x3FB0];
	_ =	sdelay $0x3  }
0x37: {  	[smem:$0x3FB0] =	sst s10  }
0x38: {  	s10 =	sld [smem:$0x3FB1]  }
0x39: {  	_ = 	snop;
	(pc) =	sbr.ind lr, $3  }
0x3a: {  	_ = 	snop  }
0x3b: {  	_ = 	snop  }
0x3c: {  	p2 =	seq.s32 s10, $0x1;
	s10 =	sld [smem:$0x3FB0]  }
0x3d: {  	_ =	shalt  }
0x3e: {  	_ =	shalt  }
0x3f: {  	_ =	shalt  }
0x40: {  	_ =	shalt  }
0x41: {  	_ =	shalt  }
0x42: {  	_ =	shalt  }
0x43: {  	_ =	shalt  }
0x44: {  	_ =	shalt  }
0x45: {  	_ =	shalt  }
0x46: {  	_ =	shalt  }
0x47: {  	_ =	shalt  }
0x48: {  	_ =	shalt  }
0x49: {  	_ =	shalt  }
0x4a: {  	_ =	shalt  }
0x4b: {  	_ =	shalt  }
0x4c: {  	_ =	shalt  }
0x4d: {  	_ =	shalt  }
0x4e: {  	_ =	shalt  }
0x4f: {  	_ =	shalt  }
0x50: {  	_ =	shalt  }
0x51: {  	_ =	shalt  }
0x52: {  	_ =	shalt  }
0x53: {  	_ =	shalt  }
0x54: {  	_ =	shalt  }
0x55: {  	_ =	shalt  }
0x56: {  	_ =	shalt  }
0x57: {  	_ =	shalt  }
0x58: {  	_ =	shalt  }
0x59: {  	_ =	shalt  }
0x5a: {  	_ =	shalt  }
0x5b: {  	_ =	shalt  }
0x5c: {  	_ =	shalt  }
0x5d: {  	_ =	shalt  }
0x5e: {  	_ =	shalt  }
0x5f: {  	_ =	shalt  }
0x60: {  	_ =	shalt  }
0x61: {  	_ =	shalt  }
0x62: {  	_ =	shalt  }
0x63: {  	_ =	shalt  }
0x64: {  	_ =	shalt  }
0x65: {  	_ =	shalt  }
0x66: {  	_ =	shalt  }
0x67: {  	_ =	shalt  }
0x68: {  	_ =	shalt  }
0x69: {  	_ =	shalt  }
0x6a: {  	_ =	shalt  }
0x6b: {  	_ =	shalt  }
0x6c: {  	_ =	shalt  }
0x6d: {  	_ =	shalt  }
0x6e: {  	_ =	shalt  }
0x6f: {  	_ =	shalt  }
0x70: {  	_ =	shalt  }
0x71: {  	_ =	shalt  }
0x72: {  	_ =	shalt  }
0x73: {  	_ =	shalt  }
0x74: {  	_ =	shalt  }
0x75: {  	_ =	shalt  }
0x76: {  	_ =	shalt  }
0x77: {  	_ =	shalt  }
0x78: {  	_ =	shalt  }
0x79: {  	_ =	shalt  }
0x7a: {  	_ =	shalt  }
0x7b: {  	_ =	shalt  }
0x7c: {  	_ =	shalt  }
0x7d: {  	_ =	shalt  }
0x7e: {  	_ =	shalt  }
0x7f: {  	_ =	shalt  }
0x80: {  	_ =	shalt  }
0x81: {  	_ =	shalt  }
0x82: {  	_ =	shalt  }
0x83: {  	_ =	shalt  }
0x84: {  	_ =	shalt  }
0x85: {  	_ =	shalt  }
0x86: {  	_ =	shalt  }
0x87: {  	_ =	shalt  }
.Lfunc_end0:
.L_simem_size_0:
called_computation.1_lowered:
.L_overlay_start_0:
0x88: {  	s2 =	sld [smem:$0x3FD9]  }
0x89: {  	s3 =	sld [smem:$0x3FFE];
	_ =	sdelay $0x1  }
0x8a: {  	s1 =	srdreg.scid  }
0x8b: {  	s0 =	sand.u32 $0x1, s1  }
0x8c: {  	s17 =	sshll.u32 s0, $0xA;
	s2 =	sadd.s32 s3, s2  }
0x8d: {  	s2 =	sadd.s32 s2, s17  }
0x8e: {  	[smem:$0x3FBC] =	sst s2  }
0x8f: {  	_ = 	snop  }
0x90: {  	s2 =	sld [smem:$0x3FD0];
	(tm) =	ssettm $0x1  }
0x91: {  	s18 =	sld [smem:$0x3FFB];
	_ =	sdelay $0x3  }
0x92: {  	_ =	strace s18  }
0x93: {  	s3 =	sld [smem:$0x3FFC];
	_ =	sdelay $0x3  }
0x94: {  	_ =	strace s3  }
0x95: {  	s3 =	sld [smem:$0x3FFD];
	_ =	sdelay $0x3  }
0x96: {  	_ =	strace s3  }
0x97: {  	_ =	strace $0x8FFFFFFF  }
0x98: {  	s19 =	sld [smem:$0x3FDB];
	_ =	sdelay $0x1  }
0x99: {  	s4 =	simm.s32 $_scs_section_size  }
0x9a: {  	s5 =	simm.s32 $_size__tile_overlayer_lowered;
	s6 =	simm.s32 $_tile_overlayer_lowered  }
0x9b: {  	s22 =	simm.s32 $0x1BFF;
	s21 =	sshll.u32 s6, $0x1;
	s3 =	sadd.s32 s4, s19  }
0x9c: {  	s7 =	simm.s32 $0x0;
	s20 =	sshll.u32 s5, $0x1;
	s5 =	sadd.s32 s21, s3  }
0x9d: {  	[timem:s7], [sflag:s22] =	dma.local [hbm:s5], s20  }
0x9e: {  	_ =	swait.ge [sflag:s22], s20  }
0x9f: {  	s4 =	ssub.s32 $0x0, s20;
	[sflag:s22] =	ssyncset.done $0x0  }
0xa0: {  	[sflag:s22] =	ssyncadd.s32 s4;
	_ =	sdelay $0x1  }
0xa1: {  	s23 =	simm.s32 $0x1B8B  }
0xa2: {  	_ =	swait.ge [sflag:s23], $0x1  }
0xa3: {  	[sflag:s23] =	ssyncset.done $0x0  }
0xa4: {  	s25 =	simm.s32 $0x1B8E;
	s24 =	sld [smem:$0x3FFE];
	[sflag:s23] =	ssyncadd.s32 $0xFFFFFFFF  }
0xa5: {  	s26 =	simm.s32 $execute0_lowered;
	[smem:$0x3FD2] =	sst s25  }
0xa6: {  	s5 =	sshll.u32 s26, $0x1;
	_ =	strace $0x80000049;
	[dreg:$0x1] =	wrdreg $0xFFFFFFFF  }
0xa7: {  	s28 =	simm.s32 $_size_execute0_lowered;
	s3 =	sadd.s32 s3, s5;
	[dreg:$0x0] =	wrdreg $0x0  }
0xa8: {  	s5 =	sshll.u32 s28, $0x1;
	[dreg:$0x2] =	wrdreg s3  }
0xa9: {  	[dreg:$0x3] =	wrdreg s5  }
0xaa: {  	[dreg:$0x4] =	wrdreg $0xC0  }
0xab: {  	_ =	task [dreg:s7], $0x5FFFF  }
0xac: {  	[dreg:$0x1] =	wrdreg $0xFFFFFFFF  }
0xad: {  	[dreg:$0x0] =	wrdreg $0x60  }
0xae: {  	[dreg:$0x2] =	wrdreg s2  }
0xaf: {  	[dreg:$0x3] =	wrdreg s24  }
0xb0: {  	[dreg:$0x4] =	wrdreg $0x7F000  }
0xb1: {  	[dreg:$0x5] =	wrdreg $0x9  }
0xb2: {  	_ =	task.clear_ibuf [dreg:s7], $0x6FFFF;
	_ =	strace $0x90000049  }
0xb3: {  	s29 =	simm.s32 $0x9;
	_ =	strace $0x8000004B  }
0xb4: {  	_ =	swait.ge [sflag:s29], $0x1  }
0xb5: {  	[sflag:s29] =	ssyncadd.s32 $0xFFFFFFFF  }
0xb6: {  	_ =	strace $0x9000004B  }
0xb7: {  	_ =	sfence  }
0xb8: {  	s30 =	sld [smem:$0x0];
	_ =	sdelay $0x2  }
0xb9: {  	s31 =	sshll.u32 s1, $0xD;
	s1 =	sshrl.u32 s1, $0x2  }
0xba: {  	s3 =	sand.u32 $0x4000, s31;
	s1 =	sadd.s32 s1, s30  }
0xbb: {  	s0 =	sor.u32 s3, s0;
	s1 =	sshll.u32 s1, $0x11  }
0xbc: {  	s0 =	sor.u32 s1, s0  }
0xbd: {  	s0 =	sadd.s32 $0x8F2B, s0  }
0xbe: {  	[sflag:s0] =	ssyncadd.remote.s32 $0x1  }
0xbf: {  	_ =	sfence.sel $0xFFFF  }
0xc0: {  	[dreg:$0x0] =	wrdreg $0xFFFFFFFF;
	(pc) =	sbr.abs _section_cstart, $3  }
0xc1: {  	[dreg:$0x1] =	wrdreg $0xFFFFFFFF  }
0xc2: {  	_ =	task.clear_ibuf [dreg:s7], $0x2FFFF;
	_ =	strace $0x9FFFFFFF  }
0xc3: {  	(tm) =	ssettm $0x7FFFFFFF  }
tec
execute0_lowered:
.L_overlay_start_1:
0x0: {  	(tag) =	ssettag $0x1  }
0x1: {  	s2 =	rddreg [dreg:$0x0]  }
0x2: {  	s0 =	rddreg [dreg:$0x1]  }
0x3: {  	s3 =	rddreg [dreg:$0x2];
	s1 =	stileid.u32  }
0x4: {  	s4 =	simm.s32 $0x0;
	s6 =	srdreg.scid;
	s28 =	simm.s32 $0x3  }
0x5: {  	s29 =	simm.s32 $0x6;
	s30 =	simm.s32 $0x4;
	s31 =	simm.s32 $0x0  }
0x6: {  	s5 =	smul.u32 $0x13C00, s1;
	[smem:$0x7FF] =	sst s4;
	s6 =	sand.u32 $0x1, s6  }
0x7: {  	s16 =	sadd.s32 $0x3000, s0;
	s9 =	sshll.u32 s1, $0x1;
	s19 =	smul.u32 $0x5000, s1  }
0x8: {  	s23 =	sshll.u32 s1, $0x6;
	_ =	strace $0x8000004A;
	s8 =	smul.u32 $0x13C000, s6  }
0x9: {  	s10 =	ssub.s32 $0x2, s6;
	s9 =	sor.u32 s6, s9;
	s21 =	smul.u32 $0x2800, s6  }
0xa: {  	s7 =	sshrl.u32 s5, $0x3;
	s11 =	sshrl.u32 s10, $0x1;
	s9 =	smul.u32 $0x2800, s9  }
0xb: {  	s17 =	sadd.s32 s5, s3;
	s7 =	sadd.s32 s7, s0;
	s8 =	sadd.s32 s5, s8  }
0xc: {  	s12 =	ssub.s32 s10, s11;
	s14 =	sadd.s32 s21, s19;
	s17 =	sshrl.u32 s17, $0x3  }
0xd: {  	s19 =	simm.s32 $0x80;
	s21 =	simm.s32 $0x200;
	s8 =	sshrl.u32 s8, $0x3  }
0xe: {  	s20 =	sshrl.u32 s9, $0x3;
	s22 =	sadd.s32 $0x1C000, s7;
	s7 =	sor.u32 $0x1C05, s23  }
0xf: {  	s13 =	sadd.s32 $0x50180, s14;
	s12 =	smax.u32 s12, $0x1;
	s25 =	sor.u32 $0x180, s14  }
0x10: {  	s15 =	sadd.s32 $0x50100, s14;
	s18 =	sor.u32 $0x100, s14;
	s23 =	simm.s32 $0x180  }
0x11: {  	s0 =	sadd.s32 s8, s0;
	[dreg:$0x4] =	wrdreg s22;
	s6 =	sadd.s32 s16, s20  }
0x12: {  	s24 =	sshrl.u32 s13, $0x3;
	s15 =	sshrl.u32 s15, $0x3;
	s26 =	sshrl.u32 s18, $0x3  }
0x13: {  	s18 =	simm.s32 $0x5;
	s20 =	simm.s32 $0x7D;
	s22 =	simm.s32 $0x100  }
0x14: {  	s8 =	sadd.s32 $0xA000, s6;
	s9 =	sadd.s32 $0x10, s6;
	s10 =	sadd.s32 $0xA010, s6  }
0x15: {  	s11 =	sadd.s32 $0x43800, s0;
	s13 =	sadd.s32 s24, s16;
	s0 =	sshrl.u32 s25, $0x3  }
0x16: {  	s15 =	sadd.s32 s15, s16;
	s24 =	simm.s32 $0x1;
	s25 =	simm.s32 $0x4080  }
0x17: {  	s14 =	sadd.s32 s0, s16;
	s16 =	sadd.s32 s26, s16;
	s26 =	simm.s32 $0x2  }
.LBB2_1:
0x18: {  	s0 =	rddreg [dreg:$0x4]  }
0x19: {  	[spmem:s17], [sflag:s7] =	dma.local [hbm:s0], $0x2780  }
0x1a: {  	_ =	swait.ge [sflag:s18], $0x2780  }
0x1b: {  	[sflag:s18] =	ssyncset.done $0x0  }
0x1c: {  	[sflag:s18] =	ssyncadd.s32 $0xFFFFD880  }
0x1d: {  	[bflag:$0x0] =	sbarrier.arrive $0xFFFF  }
0x1e: {  	[tilespmem:s4], [sflag:$0x5] =	stream.linear.gather [hbm4b:s6+s4], $0x80, $0x38;
	[tilespmem:$0x1BB00] =	vst v63  }
0x1f: {  	_ =	swait.ge [sflag:s18], $0x80  }
0x20: {  	[sflag:s18] =	ssyncset.done $0x0  }
0x21: {  	[sflag:s18] =	ssyncadd.s32 $0xFFFFFF80  }
0x22: {  	[tilespmem:s19], [sflag:$0x5] =	stream.linear.gather [hbm4b:s8+s4], $0x80, $0x38;
	[tilespmem:$0x1BB00] =	vst v63  }
0x23: {  	_ =	swait.ge [sflag:s18], $0x80  }
0x24: {  	[sflag:s18] =	ssyncset.done $0x0  }
0x25: {  	[sflag:s18] =	ssyncadd.s32 $0xFFFFFF80  }
0x26: {  	[tilespmem:s21], [sflag:$0x1] =	stream.indirect.gather [hbm4b:s2+s20], $0x80, s4, s20, $0xb8;
	[tilespmem:$0x1BB00] =	vst v63  }
0x27: {  	_ = 	snop  }
0x28: {  	[tilespmem:s22], [sflag:$0x5] =	stream.linear.gather [hbm4b:s9+s4], $0x80, $0x38;
	[tilespmem:$0x1BB00] =	vst v63  }
0x29: {  	_ =	swait.ge [sflag:s18], $0x80  }
0x2a: {  	[sflag:s18] =	ssyncset.done $0x0  }
0x2b: {  	[sflag:s18] =	ssyncadd.s32 $0xFFFFFF80  }
0x2c: {  	[tilespmem:s23], [sflag:$0x5] =	stream.linear.gather [hbm4b:s10+s4], $0x80, $0x38;
	[tilespmem:$0x1BB00] =	vst v63  }
0x2d: {  	_ =	swait.ge [sflag:s18], $0x80  }
0x2e: {  	[sflag:s18] =	ssyncset.done $0x0  }
0x2f: {  	[sflag:s18] =	ssyncadd.s32 $0xFFFFFF80  }
0x30: {  	_ =	swait.ge [sflag:s24], $0x3E80  }
0x31: {  	[sflag:s24] =	ssyncset.done $0x0  }
0x32: {  	[sflag:s24] =	ssyncadd.s32 $0xFFFFC180  }
0x33: {  	[tilespmem:s25], [sflag:$0x2] =	stream.indirect.gather [hbm4b:s2+s20], $0x80, s22, s20, $0xb8;
	[tilespmem:$0x1BB00] =	vst v63  }
0x34: {  	_ = 	snop  }
0x35: {  	[spmem:s3] =	stream.indirect.scatter.add.f32 [tilespmem:s21], [sflag:$0x3], $0x80, s19, s20, $0xb8;
	[tilespmem:$0x1BB00] =	vst v63  }
0x36: {  	_ =	swait.ge [sflag:s26], $0x3E80  }
0x37: {  	[sflag:s26] =	ssyncset.done $0x0  }
0x38: {  	[sflag:s26] =	ssyncadd.s32 $0xFFFFC180  }
0x39: {  	[spmem:s3] =	stream.indirect.scatter.add.f32 [tilespmem:s25], [sflag:$0x4], $0x80, s23, s20, $0xb8;
	[tilespmem:$0x1BB00] =	vst v63  }
0x3a: {  	_ =	swait.ge [sflag:s28], $0x3E80  }
0x3b: {  	[sflag:s28] =	ssyncset.done $0x0  }
0x3c: {  	s1 =	sadd.s32 $0x0, s16;
	[sflag:s28] =	ssyncadd.s32 $0xFFFFC180  }
0x3d: {  	[tilespmem:s4], [sflag:$0x6] =	stream.linear.gather [hbm4b:s1+s4], $0x80, $0x38;
	[tilespmem:$0x1BB00] =	vst v63  }
0x3e: {  	_ =	swait.ge [sflag:s29], $0x80  }
0x3f: {  	[sflag:s29] =	ssyncset.done $0x0  }
0x40: {  	s5 =	sadd.s32 $0x0, s15;
	[sflag:s29] =	ssyncadd.s32 $0xFFFFFF80  }
0x41: {  	[tilespmem:s19], [sflag:$0x6] =	stream.linear.gather [hbm4b:s5+s4], $0x80, $0x38;
	[tilespmem:$0x1BB00] =	vst v63  }
0x42: {  	_ =	swait.ge [sflag:s29], $0x80  }
0x43: {  	[sflag:s29] =	ssyncset.done $0x0  }
0x44: {  	[sflag:s29] =	ssyncadd.s32 $0xFFFFFF80  }
0x45: {  	[tilespmem:s21], [sflag:$0x1] =	stream.indirect.gather [hbm4b:s2+s20], $0x80, s4, s20, $0xb8;
	[tilespmem:$0x1BB00] =	vst v63  }
0x46: {  	_ =	swait.ge [sflag:s30], $0x3E80  }
0x47: {  	[sflag:s30] =	ssyncset.done $0x0  }
0x48: {  	s1 =	sadd.s32 $0x0, s14;
	[sflag:s30] =	ssyncadd.s32 $0xFFFFC180  }
0x49: {  	[tilespmem:s22], [sflag:$0x6] =	stream.linear.gather [hbm4b:s1+s4], $0x80, $0x38;
	[tilespmem:$0x1BB00] =	vst v63  }
0x4a: {  	_ =	swait.ge [sflag:s29], $0x80  }
0x4b: {  	[sflag:s29] =	ssyncset.done $0x0  }
0x4c: {  	s5 =	sadd.s32 $0x0, s13;
	[sflag:s29] =	ssyncadd.s32 $0xFFFFFF80  }
0x4d: {  	[tilespmem:s23], [sflag:$0x5] =	stream.linear.gather [hbm4b:s5+s4], $0x80, $0x38;
	[tilespmem:$0x1BB00] =	vst v63  }
0x4e: {  	_ =	swait.ge [sflag:s18], $0x80  }
0x4f: {  	s0 =	simm.s32 $0x20;
	[sflag:s18] =	ssyncset.done $0x0  }
.LBB2_2:
0x50: {  	p0 =	sne.s32 s0, $0x4C0  }
0x51: {  	[sflag:s18] =	ssyncadd.s32 $0xFFFFFF80;
	s1 =	smov.u32 s0;
	s0 =	sadd.s32 $0x20, s0  }
0x52: {  	_ =	swait.ge [sflag:s24], $0x3E80  }
0x53: {  	[sflag:s24] =	ssyncset.done $0x0  }
0x54: {  	[sflag:s24] =	ssyncadd.s32 $0xFFFFC180  }
0x55: {  	[tilespmem:s25], [sflag:$0x2] =	stream.indirect.gather [hbm4b:s2+s20], $0x80, s22, s20, $0xb8;
	[tilespmem:$0x1BB00] =	vst v63  }
0x56: {  	_ = 	snop  }
0x57: {  	[spmem:s3] =	stream.indirect.scatter.add.f32 [tilespmem:s21], [sflag:$0x3], $0x80, s19, s20, $0xb8;
	[tilespmem:$0x1BB00] =	vst v63  }
0x58: {  	_ =	swait.ge [sflag:s26], $0x3E80  }
0x59: {  	[sflag:s26] =	ssyncset.done $0x0  }
0x5a: {  	[sflag:s26] =	ssyncadd.s32 $0xFFFFC180  }
0x5b: {  	[spmem:s3] =	stream.indirect.scatter.add.f32 [tilespmem:s25], [sflag:$0x4], $0x80, s23, s20, $0xb8;
	[tilespmem:$0x1BB00] =	vst v63  }
0x5c: {  	_ =	swait.ge [sflag:s28], $0x3E80  }
0x5d: {  	[sflag:s28] =	ssyncset.done $0x0  }
0x5e: {  	s5 =	sadd.s32 s1, s16;
	[sflag:s28] =	ssyncadd.s32 $0xFFFFC180  }
0x5f: {  	[tilespmem:s4], [sflag:$0x6] =	stream.linear.gather [hbm4b:s5+s4], $0x80, $0x38;
	[tilespmem:$0x1BB00] =	vst v63  }
0x60: {  	_ =	swait.ge [sflag:s29], $0x80  }
0x61: {  	[sflag:s29] =	ssyncset.done $0x0  }
0x62: {  	s5 =	sadd.s32 s1, s15;
	[sflag:s29] =	ssyncadd.s32 $0xFFFFFF80  }
0x63: {  	[tilespmem:s19], [sflag:$0x6] =	stream.linear.gather [hbm4b:s5+s4], $0x80, $0x38;
	[tilespmem:$0x1BB00] =	vst v63  }
0x64: {  	_ =	swait.ge [sflag:s29], $0x80  }
0x65: {  	[sflag:s29] =	ssyncset.done $0x0  }
0x66: {  	[sflag:s29] =	ssyncadd.s32 $0xFFFFFF80  }
0x67: {  	[tilespmem:s21], [sflag:$0x1] =	stream.indirect.gather [hbm4b:s2+s20], $0x80, s4, s20, $0xb8;
	[tilespmem:$0x1BB00] =	vst v63  }
0x68: {  	_ =	swait.ge [sflag:s30], $0x3E80  }
0x69: {  	[sflag:s30] =	ssyncset.done $0x0  }
0x6a: {  	s5 =	sadd.s32 s1, s14;
	[sflag:s30] =	ssyncadd.s32 $0xFFFFC180  }
0x6b: {  	[tilespmem:s22], [sflag:$0x6] =	stream.linear.gather [hbm4b:s5+s4], $0x80, $0x38;
	[tilespmem:$0x1BB00] =	vst v63  }
0x6c: {  	_ =	swait.ge [sflag:s29], $0x80  }
.Ltmp0:
0x6d: {  	[sflag:s29] =	ssyncset.done $0x0;
	(pc) =	sbr.rel @p0 .LBB2_2-.Ltmp0, $4  }
0x6e: {  	s1 =	sadd.s32 s1, s13;
	[sflag:s29] =	ssyncadd.s32 $0xFFFFFF80  }
0x6f: {  	[tilespmem:s23], [sflag:$0x5] =	stream.linear.gather [hbm4b:s1+s4], $0x80, $0x38;
	[tilespmem:$0x1BB00] =	vst v63  }
0x70: {  	_ =	swait.ge [sflag:s18], $0x80  }
0x71: {  	[sflag:s18] =	ssyncset.done $0x0  }
0x72: {  	[sflag:s18] =	ssyncadd.s32 $0xFFFFFF80  }
0x73: {  	_ =	swait.ge [sflag:s24], $0x3E80  }
0x74: {  	[sflag:s24] =	ssyncset.done $0x0  }
0x75: {  	[sflag:s24] =	ssyncadd.s32 $0xFFFFC180  }
0x76: {  	[tilespmem:s25], [sflag:$0x2] =	stream.indirect.gather [hbm4b:s2+s20], $0x80, s22, s20, $0xb8;
	[tilespmem:$0x1BB00] =	vst v63  }
0x77: {  	_ = 	snop  }
0x78: {  	[spmem:s3] =	stream.indirect.scatter.add.f32 [tilespmem:s21], [sflag:$0x3], $0x80, s19, s20, $0xb8;
	[tilespmem:$0x1BB00] =	vst v63  }
0x79: {  	_ =	swait.ge [sflag:s26], $0x3E80  }
0x7a: {  	[sflag:s26] =	ssyncset.done $0x0  }
0x7b: {  	[sflag:s26] =	ssyncadd.s32 $0xFFFFC180  }
0x7c: {  	[spmem:s3] =	stream.indirect.scatter.add.f32 [tilespmem:s25], [sflag:$0x4], $0x80, s23, s20, $0xb8;
	[tilespmem:$0x1BB00] =	vst v63  }
0x7d: {  	_ =	swait.ge [sflag:s28], $0x3E80  }
0x7e: {  	[sflag:s28] =	ssyncset.done $0x0  }
0x7f: {  	[sflag:s28] =	ssyncadd.s32 $0xFFFFC180  }
0x80: {  	_ =	swait.ge [sflag:s30], $0x3E80  }
0x81: {  	s31 =	sadd.s32 $0x1, s31;
	[sflag:s30] =	ssyncset.done $0x0  }
0x82: {  	p0 =	sne.s32 s31, s12;
	[sflag:s30] =	ssyncadd.s32 $0xFFFFC180  }
.Ltmp1:
0x83: {  	[bflag:$0x0] =	sbarrier.arrive $0xFFFF;
	(pc) =	sbr.rel @p0 .LBB2_1-.Ltmp1, $4  }
0x84: {  	[hbm:s11], [sflag:s7] =	dma.local [spmem:s17], $0x2780  }
0x85: {  	_ =	swait.ge [sflag:s18], $0x2780  }
0x86: {  	[sflag:s18] =	ssyncset.done $0x0  }
0x87: {  	[sflag:s18] =	ssyncadd.s32 $0xFFFFD880  }
0x88: {  	_ =	sfence.sel $0x180000  }
0x89: {  	[bflag:$0x0] =	sbarrier.arrive $0xFFFF  }
0x8a: {  	_ =	strace $0x9000004A  }
0x8b: {  	s0 =	stileid.u32;
	[bflag:$0x2] =	sbarrier.arrive $0xFFFF  }
0x8c: {  	p0 =	sne.s32 s0, $0x0;
	s0 =	rddreg [dreg:$0x3]  }
0x8d: {  	s0 =	sadd.s32 @!p0 $0x100000, s0  }
0x8e: {  	[sflag:s0] =	ssyncadd.tile.s32 @!p0 $0x1;
	_ =	shalt  }
.Lfunc_end2:
_tile_overlayer_lowered:
.L_overlay_start_2:
0x8f: {  	(tag) =	ssettag $0x2  }
0x90: {  	s0 =	rddreg [dreg:$0x0];
	s2 =	stileid.u32  }
0x91: {  	s1 =	rddreg [dreg:$0x1];
	p0 =	sne.s32 s2, $0x0  }
0x92: {  	s3 =	rddreg [dreg:$0x2];
	[bflag:$0x3] =	sbarrier.arrive $0xFFFF;
	s2 =	simm.s32 @!p0 $0x1C05  }
0x93: {  	[timem:s3], [sflag:s2] =	dma.local @!p0 [hbm:s0], s1  }
0x94: {  	s0 =	simm.s32 @!p0 $0x5  }
0x95: {  	_ =	swait.ge @!p0 [sflag:s0], s1  }
0x96: {  	s1 =	ssub.s32 @!p0 $0x0, s1;
	[sflag:s0] =	ssyncset.done @!p0 $0x0  }
0x97: {  	[sflag:s0] =	ssyncadd.s32 @!p0 s1  }
0x98: {  	[bflag:$0x3] =	sbarrier.arrive $0xFFFF  }
0x99: {  	_ =	shalt  }

// kernel: kernel.7.cloned.1.call-start
scs
__scs_entry_jumppad:
0x0: {  	(pc) =	sbr.rel $0x88, $3  }
0x1: {  	(tag) =	ssettag $0x0;
	lr =	simm.s32 $0x1  }
0x2: {  	[smem:$0x3F95] =	sst lr;
	_ =	strace $0xD0000000  }
0x3: {  	_ = 	snop  }
0x4: {  	_ = 	snop  }
0x5: {  	_ = 	snop  }
0x6: {  	_ = 	snop  }
0x7: {  	_ = 	snop  }
__scs_overlays_trampoline_lowered:
0x8: {  	[smem:$0x3FA4] =	sst s0  }
0x9: {  	[smem:$0x3FA5] =	sst s1  }
0xa: {  	[smem:$0x3FA6] =	sst s2  }
0xb: {  	[smem:$0x3FA7] =	sst s3  }
0xc: {  	[smem:$0x3FA8] =	sst s4  }
0xd: {  	[smem:$0x3FA9] =	sst s5  }
0xe: {  	[smem:$0x3FAA] =	sst s6  }
0xf: {  	[smem:$0x3FAB] =	sst s7  }
0x10: {  	[smem:$0x3FAC] =	sst s8  }
0x11: {  	[smem:$0x3FAD] =	sst s9;
	s0 =	simm.s32 @!p0 $0x0  }
0x12: {  	s1 =	sld [smem:$0x3F93];
	s0 =	simm.s32 @p0 $0x1  }
0x13: {  	[smem:$0x3FAE] =	sst s0;
	s0 =	simm.s32 @!p1 $0x0  }
0x14: {  	s2 =	sld [smem:$0x3F92];
	s0 =	simm.s32 @p1 $0x1  }
0x15: {  	[smem:$0x3FAF] =	sst s0;
	s0 =	simm.s32 @!p2 $0x0  }
0x16: {  	s3 =	sld [smem:$0x3FDB];
	s0 =	simm.s32 @p2 $0x1  }
0x17: {  	s4 =	simm.s32 $0x1BF5;
	[smem:$0x3FB1] =	sst s0  }
0x18: {  	s0 =	sld [smem:$0x3F94];
	_ =	swait.ge [sflag:s4], $0x0  }
0x19: {  	s7 =	sld [smem:$0x3F95]  }
0x1a: {  	s8 =	sadd.s32 $0xFFFFE003, lr  }
0x1b: {  	s9 =	sadd.s32 $0xFFFFFEF7, lr;
	s5 =	simm.s32 $0xFFFFFFFF;
	p2 =	slt.u32 s8, $0xFFFFF086  }
0x1c: {  	p1 =	slt.u32 s9, $0xF7A;
	s5 =	simm.s32 @!p2 $0x0  }
0x1d: {  	s5 =	simm.s32 @p1 $0x1;
	p0 =	seq.s32 s7, s2  }
0x1e: {  	s7 =	smul.u32 @!p0 $0xF7A, s2;
	p2 =	seq.s32 @!p0 s5, $0x0  }
0x1f: {  	s9 =	smul.u32 $0xF7A, s1;
	s8 =	simm.s32 @!p0 $0x1BF5;
	p2 =	por !p2, p0  }
0x20: {  	[sflag:s8] =	ssyncset.s32 @!p0 $0xFFFFF086;
	s6 =	sadd.s32 @!p0 s3, s7;
	s7 =	simm.s32 @!p0 $0x108  }
0x21: {  	s3 =	sadd.s32 s3, s9;
	s6 =	sadd.s32 @!p0 $0x88, s6;
	s7 =	simm.s32 @p2 $0x1082  }
0x22: {  	[simem:s7], [sflag:s8] =	dma.local @!p0 [hbm:s6], $0xF7A  }
0x23: {  	s9 =	sor.u32 $0xD0000000, s2;
	s6 =	simm.s32 $0x108;
	_ =	swait.ge @!p0 [sflag:s8], $0x0  }
0x24: {  	s3 =	sadd.s32 $0x88, s3;
	s6 =	simm.s32 @!p1 $0x1082;
	[sflag:s4] =	ssyncset.s32 $0xFFFFF086  }
0x25: {  	[simem:s6], [sflag:s4] =	dma.local [hbm:s3], $0xF7A  }
0x26: {  	[smem:$0x3F95] =	sst s1;
	(tag) =	ssettag s2;
	_ =	strace s9  }
0x27: {  	s1 =	sld [smem:$0x3FA5]  }
0x28: {  	s2 =	sld [smem:$0x3FA6]  }
0x29: {  	s4 =	sld [smem:$0x3FA8]  }
0x2a: {  	p0 =	seq.s32 s5, $0x0;
	s5 =	sld [smem:$0x3FA9]  }
0x2b: {  	s6 =	sld [smem:$0x3FAA]  }
0x2c: {  	s7 =	sld [smem:$0x3FAB]  }
0x2d: {  	s3 =	simm.s32 $0x108;
	s8 =	sld [smem:$0x3FAC]  }
0x2e: {  	s3 =	simm.s32 @!p0 $0x1082;
	s9 =	sld [smem:$0x3FAD]  }
0x2f: {  	lr =	sadd.s32 s0, s3;
	s0 =	sld [smem:$0x3FA4]  }
0x30: {  	s3 =	sld [smem:$0x3FA7]  }
0x31: {  	[smem:$0x3FB0] =	sst s10  }
0x32: {  	s10 =	sld [smem:$0x3FAE];
	_ =	sdelay $0x3  }
0x33: {  	p0 =	seq.s32 s10, $0x1;
	s10 =	sld [smem:$0x3FB0];
	_ =	sdelay $0x3  }
0x34: {  	[smem:$0x3FB0] =	sst s10  }
0x35: {  	s10 =	sld [smem:$0x3FAF];
	_ =	sdelay $0x3  }
0x36: {  	p1 =	seq.s32 s10, $0x1;
	s10 =	sld [smem:$0x3FB0];
	_ =	sdelay $0x3  }
0x37: {  	[smem:$0x3FB0] =	sst s10  }
0x38: {  	s10 =	sld [smem:$0x3FB1]  }
0x39: {  	_ = 	snop;
	(pc) =	sbr.ind lr, $3  }
0x3a: {  	_ = 	snop  }
0x3b: {  	_ = 	snop  }
0x3c: {  	p2 =	seq.s32 s10, $0x1;
	s10 =	sld [smem:$0x3FB0]  }
0x3d: {  	_ =	shalt  }
0x3e: {  	_ =	shalt  }
0x3f: {  	_ =	shalt  }
0x40: {  	_ =	shalt  }
0x41: {  	_ =	shalt  }
0x42: {  	_ =	shalt  }
0x43: {  	_ =	shalt  }
0x44: {  	_ =	shalt  }
0x45: {  	_ =	shalt  }
0x46: {  	_ =	shalt  }
0x47: {  	_ =	shalt  }
0x48: {  	_ =	shalt  }
0x49: {  	_ =	shalt  }
0x4a: {  	_ =	shalt  }
0x4b: {  	_ =	shalt  }
0x4c: {  	_ =	shalt  }
0x4d: {  	_ =	shalt  }
0x4e: {  	_ =	shalt  }
0x4f: {  	_ =	shalt  }
0x50: {  	_ =	shalt  }
0x51: {  	_ =	shalt  }
0x52: {  	_ =	shalt  }
0x53: {  	_ =	shalt  }
0x54: {  	_ =	shalt  }
0x55: {  	_ =	shalt  }
0x56: {  	_ =	shalt  }
0x57: {  	_ =	shalt  }
0x58: {  	_ =	shalt  }
0x59: {  	_ =	shalt  }
0x5a: {  	_ =	shalt  }
0x5b: {  	_ =	shalt  }
0x5c: {  	_ =	shalt  }
0x5d: {  	_ =	shalt  }
0x5e: {  	_ =	shalt  }
0x5f: {  	_ =	shalt  }
0x60: {  	_ =	shalt  }
0x61: {  	_ =	shalt  }
0x62: {  	_ =	shalt  }
0x63: {  	_ =	shalt  }
0x64: {  	_ =	shalt  }
0x65: {  	_ =	shalt  }
0x66: {  	_ =	shalt  }
0x67: {  	_ =	shalt  }
0x68: {  	_ =	shalt  }
0x69: {  	_ =	shalt  }
0x6a: {  	_ =	shalt  }
0x6b: {  	_ =	shalt  }
0x6c: {  	_ =	shalt  }
0x6d: {  	_ =	shalt  }
0x6e: {  	_ =	shalt  }
0x6f: {  	_ =	shalt  }
0x70: {  	_ =	shalt  }
0x71: {  	_ =	shalt  }
0x72: {  	_ =	shalt  }
0x73: {  	_ =	shalt  }
0x74: {  	_ =	shalt  }
0x75: {  	_ =	shalt  }
0x76: {  	_ =	shalt  }
0x77: {  	_ =	shalt  }
0x78: {  	_ =	shalt  }
0x79: {  	_ =	shalt  }
0x7a: {  	_ =	shalt  }
0x7b: {  	_ =	shalt  }
0x7c: {  	_ =	shalt  }
0x7d: {  	_ =	shalt  }
0x7e: {  	_ =	shalt  }
0x7f: {  	_ =	shalt  }
0x80: {  	_ =	shalt  }
0x81: {  	_ =	shalt  }
0x82: {  	_ =	shalt  }
0x83: {  	_ =	shalt  }
0x84: {  	_ =	shalt  }
0x85: {  	_ =	shalt  }
0x86: {  	_ =	shalt  }
0x87: {  	_ =	shalt  }
.Lfunc_end0:
.L_simem_size_0:
called_computation_lowered:
.L_overlay_start_0:
0x88: {  	s2 =	sld [smem:$0x3FD9]  }
0x89: {  	s3 =	sld [smem:$0x3FFE];
	_ =	sdelay $0x1  }
0x8a: {  	s1 =	srdreg.scid  }
0x8b: {  	s0 =	sand.u32 $0x1, s1  }
0x8c: {  	s17 =	sshll.u32 s0, $0xA;
	s2 =	sadd.s32 s3, s2  }
0x8d: {  	s2 =	sadd.s32 s2, s17  }
0x8e: {  	[smem:$0x3FBC] =	sst s2  }
0x8f: {  	_ = 	snop  }
0x90: {  	s2 =	sld [smem:$0x3FD0];
	(tm) =	ssettm $0x1  }
0x91: {  	s18 =	sld [smem:$0x3FFB];
	_ =	sdelay $0x3  }
0x92: {  	_ =	strace s18  }
0x93: {  	s3 =	sld [smem:$0x3FFC];
	_ =	sdelay $0x3  }
0x94: {  	_ =	strace s3  }
0x95: {  	s3 =	sld [smem:$0x3FFD];
	_ =	sdelay $0x3  }
0x96: {  	_ =	strace s3  }
0x97: {  	_ =	strace $0x8FFFFFFF  }
0x98: {  	s19 =	sld [smem:$0x3FDB];
	_ =	sdelay $0x1  }
0x99: {  	s4 =	simm.s32 $_scs_section_size  }
0x9a: {  	s5 =	simm.s32 $_size__tile_overlayer_lowered;
	s6 =	simm.s32 $_tile_overlayer_lowered  }
0x9b: {  	s22 =	simm.s32 $0x1BFF;
	s21 =	sshll.u32 s6, $0x1;
	s3 =	sadd.s32 s4, s19  }
0x9c: {  	s7 =	simm.s32 $0x0;
	s20 =	sshll.u32 s5, $0x1;
	s5 =	sadd.s32 s21, s3  }
0x9d: {  	[timem:s7], [sflag:s22] =	dma.local [hbm:s5], s20  }
0x9e: {  	_ =	swait.ge [sflag:s22], s20  }
0x9f: {  	s4 =	ssub.s32 $0x0, s20;
	[sflag:s22] =	ssyncset.done $0x0  }
0xa0: {  	[sflag:s22] =	ssyncadd.s32 s4;
	_ =	sdelay $0x1  }
0xa1: {  	s23 =	simm.s32 $0x1B8B  }
0xa2: {  	_ =	swait.ge [sflag:s23], $0x1  }
0xa3: {  	[sflag:s23] =	ssyncset.done $0x0  }
0xa4: {  	s25 =	simm.s32 $0x1B8E;
	s24 =	sld [smem:$0x3FFE];
	[sflag:s23] =	ssyncadd.s32 $0xFFFFFFFF  }
0xa5: {  	s26 =	simm.s32 $execute0_lowered;
	[smem:$0x3FD2] =	sst s25  }
0xa6: {  	s5 =	sshll.u32 s26, $0x1;
	_ =	strace $0x80000046;
	[dreg:$0x1] =	wrdreg $0xFFFFFFFF  }
0xa7: {  	s28 =	simm.s32 $_size_execute0_lowered;
	s3 =	sadd.s32 s3, s5;
	[dreg:$0x0] =	wrdreg $0x0  }
0xa8: {  	s5 =	sshll.u32 s28, $0x1;
	[dreg:$0x2] =	wrdreg s3  }
0xa9: {  	[dreg:$0x3] =	wrdreg s5  }
0xaa: {  	[dreg:$0x4] =	wrdreg $0xC0  }
0xab: {  	_ =	task [dreg:s7], $0x5FFFF  }
0xac: {  	[dreg:$0x1] =	wrdreg $0xFFFFFFFF  }
0xad: {  	[dreg:$0x0] =	wrdreg $0x60  }
0xae: {  	[dreg:$0x2] =	wrdreg s2  }
0xaf: {  	[dreg:$0x3] =	wrdreg s24  }
0xb0: {  	[dreg:$0x4] =	wrdreg $0x7F000  }
0xb1: {  	[dreg:$0x5] =	wrdreg $0x1C2D00  }
0xb2: {  	[dreg:$0x6] =	wrdreg $0x9  }
0xb3: {  	_ =	task.clear_ibuf [dreg:s7], $0x7FFFF;
	_ =	strace $0x90000046  }
0xb4: {  	s29 =	simm.s32 $0x9;
	_ =	strace $0x80000048  }
0xb5: {  	_ =	swait.ge [sflag:s29], $0x1  }
0xb6: {  	[sflag:s29] =	ssyncadd.s32 $0xFFFFFFFF  }
0xb7: {  	_ =	strace $0x90000048  }
0xb8: {  	_ =	sfence  }
0xb9: {  	s30 =	sld [smem:$0x0];
	_ =	sdelay $0x2  }
0xba: {  	s31 =	sshll.u32 s1, $0xD;
	s1 =	sshrl.u32 s1, $0x2  }
0xbb: {  	s3 =	sand.u32 $0x4000, s31;
	s1 =	sadd.s32 s1, s30  }
0xbc: {  	s0 =	sor.u32 s3, s0;
	s1 =	sshll.u32 s1, $0x11  }
0xbd: {  	s0 =	sor.u32 s1, s0  }
0xbe: {  	s0 =	sadd.s32 $0x8F2B, s0  }
0xbf: {  	[sflag:s0] =	ssyncadd.remote.s32 $0x1  }
0xc0: {  	_ =	sfence.sel $0xFFFF  }
0xc1: {  	[dreg:$0x0] =	wrdreg $0xFFFFFFFF;
	(pc) =	sbr.abs _section_cstart, $3  }
0xc2: {  	[dreg:$0x1] =	wrdreg $0xFFFFFFFF  }
0xc3: {  	_ =	task.clear_ibuf [dreg:s7], $0x2FFFF;
	_ =	strace $0x9FFFFFFF  }
0xc4: {  	(tm) =	ssettm $0x7FFFFFFF  }
0xc5: {  	_ =	shalt  }
tec
execute0_lowered:
.L_overlay_start_1:
0x0: {  	(tag) =	ssettag $0x1  }
0x1: {  	s1 =	rddreg [dreg:$0x0]  }
0x2: {  	s0 =	rddreg [dreg:$0x1]  }
0x3: {  	s3 =	rddreg [dreg:$0x2]  }
0x4: {  	s4 =	rddreg [dreg:$0x3];
	s16 =	stileid.u32  }
0x5: {  	s2 =	srdreg.scid;
	s5 =	simm.s32 $0x0;
	s28 =	simm.s32 $0x200  }
0x6: {  	s29 =	simm.s32 $0x100;
	s30 =	simm.s32 $0x180;
	s31 =	simm.s32 $0x1  }
0x7: {  	s6 =	smul.u32 $0x13C00, s16;
	s2 =	sand.u32 $0x1, s2;
	[smem:$0x7FF] =	sst s5  }
0x8: {  	s9 =	smul.u32 $0x2780, s16;
	s11 =	sadd.s32 $0x3000, s0;
	s24 =	sadd.s32 $0x2E00, s0  }
0x9: {  	s14 =	sshll.u32 s16, $0x1;
	s17 =	sshll.u32 s16, $0x6;
	s7 =	smul.u32 $0x13C000, s2  }
0xa: {  	_ =	strace $0x80000047;
	s12 =	smul.u32 $0x27800, s2;
	[dreg:$0x5] =	wrdreg s24  }
0xb: {  	s26 =	ssub.s32 $0x2, s2;
	s14 =	sor.u32 s2, s14;
	s2 =	smul.u32 $0x2800, s2  }
0xc: {  	s8 =	sshrl.u32 s6, $0x3;
	s10 =	sshrl.u32 s9, $0x3;
	s15 =	sshrl.u32 s26, $0x1  }
0xd: {  	s14 =	smul.u32 $0x2800, s14;
	s8 =	sadd.s32 s8, s0;
	s7 =	sadd.s32 s6, s7  }
0xe: {  	s13 =	sadd.s32 s10, s0;
	s25 =	sadd.s32 s9, s12;
	s12 =	ssub.s32 s26, s15  }
0xf: {  	s6 =	sadd.s32 s6, s3;
	s15 =	smul.u32 $0x5000, s16;
	s9 =	sadd.s32 s9, s4  }
0x10: {  	s7 =	sshrl.u32 s7, $0x3;
	s10 =	sshrl.u32 s25, $0x3;
	s8 =	sadd.s32 $0x1C000, s8  }
0x11: {  	[dreg:$0x7] =	wrdreg s9;
	s18 =	sadd.s32 $0x17000, s13;
	s9 =	simm.s32 $0x4  }
0x12: {  	s7 =	sadd.s32 s7, s0;
	s0 =	sadd.s32 s10, s0;
	[dreg:$0x6] =	wrdreg s8  }
0x13: {  	s10 =	sshrl.u32 s14, $0x3;
	s8 =	sor.u32 $0x1C06, s17;
	[dreg:$0x8] =	wrdreg s18  }
0x14: {  	s2 =	sadd.s32 s2, s15;
	s17 =	smax.u32 s12, $0x1;
	s12 =	simm.s32 $0x0  }
0x15: {  	s10 =	sadd.s32 s11, s10;
	s22 =	sadd.s32 $0x50180, s2;
	s7 =	sadd.s32 $0x4D600, s7  }
0x16: {  	s16 =	sadd.s32 $0x43800, s0;
	s24 =	sor.u32 $0x180, s2;
	s25 =	sadd.s32 $0x50100, s2  }
0x17: {  	s2 =	sor.u32 $0x100, s2;
	s19 =	sadd.s32 $0xA000, s10;
	s20 =	sadd.s32 $0x10, s10  }
0x18: {  	s21 =	sadd.s32 $0xA010, s10;
	[dreg:$0xc] =	wrdreg s7;
	s23 =	sshrl.u32 s22, $0x3  }
0x19: {  	s0 =	sshrl.u32 s24, $0x3;
	s26 =	sshrl.u32 s25, $0x3;
	s2 =	sshrl.u32 s2, $0x3  }
0x1a: {  	s22 =	sshrl.u32 s6, $0x3;
	s24 =	simm.s32 $0x1BB00;
	[dreg:$0x9] =	wrdreg s19  }
.Ltmp0:
0x1b: {  	s25 =	simm.s32 $0x80;
	[dreg:$0xa] =	wrdreg s20;
	(pc) =	sbr.rel .LBB2_1-.Ltmp0, $4  }
0x1c: {  	s6 =	simm.s32 $0x3;
	s7 =	simm.s32 $0x5;
	[dreg:$0xb] =	wrdreg s21  }
0x1d: {  	s18 =	sadd.s32 s23, s11;
	s19 =	sadd.s32 s0, s11;
	s20 =	sadd.s32 s26, s11  }
0x1e: {  	s21 =	sadd.s32 s2, s11;
	s23 =	simm.s32 $0x6;
	s26 =	simm.s32 $0x7D  }
0x1f: {  	s0 =	simm.s32 $0x4080;
	s2 =	simm.s32 $0x2;
	s11 =	simm.s32 $0x7  }
.LBB2_4:
0x20: {  	_ =	swait.ge [sflag:s9], $0x3E80  }
0x21: {  	[sflag:s9] =	ssyncset.done $0x0  }
0x22: {  	[sflag:s9] =	ssyncadd.s32 $0xFFFFC180  }
0x23: {  	[spmem:s4] =	stream.indirect.scatter.add.f32 [tilespmem:s24], [sflag:$0x5], $0x10, s30, s26, $0xb8;
	[tilespmem:$0x1EA50] =	vst v63  }
0x24: {  	_ =	swait.ge [sflag:s7], $0x7D0  }
0x25: {  	[sflag:s7] =	ssyncset.done $0x0  }
0x26: {  	[sflag:s7] =	ssyncadd.s32 $0xFFFFF830  }
0x27: {  	[bflag:$0x0] =	sbarrier.arrive $0xFFFF  }
0x28: {  	s14 =	rddreg [dreg:$0xc]  }
0x29: {  	[hbm:s14], [sflag:s8] =	dma.local [spmem:s22], $0x2780  }
0x2a: {  	s12 =	sadd.s32 $0x1, s12;
	_ =	swait.ge [sflag:s23], $0x2780  }
0x2b: {  	p0 =	sne.s32 s12, s17;
	[sflag:s23] =	ssyncset.done $0x0  }
.Ltmp1:
0x2c: {  	[sflag:s23] =	ssyncadd.s32 $0xFFFFD880;
	(pc) =	sbr.rel @!p0 .LBB2_5-.Ltmp1, $4  }
0x2d: {  	[hbm:s16], [sflag:s8] =	dma.local [spmem:s13], $0x4F0  }
0x2e: {  	_ =	swait.ge [sflag:s23], $0x4F0  }
0x2f: {  	[sflag:s23] =	ssyncset.done $0x0  }
0x30: {  	[sflag:s23] =	ssyncadd.s32 $0xFFFFFB10  }
.LBB2_1:
0x31: {  	s13 =	rddreg [dreg:$0x6]  }
0x32: {  	[spmem:s22], [sflag:s8] =	dma.local [hbm:s13], $0x2780  }
0x33: {  	_ =	swait.ge [sflag:s23], $0x2780  }
0x34: {  	[sflag:s23] =	ssyncset.done $0x0;
	s14 =	rddreg [dreg:$0x7]  }
0x35: {  	[sflag:s23] =	ssyncadd.s32 $0xFFFFD880;
	s13 =	sshrl.u32 s14, $0x3;
	s14 =	rddreg [dreg:$0x8]  }
0x36: {  	[spmem:s13], [sflag:s8] =	dma.local [hbm:s14], $0x4F0  }
0x37: {  	_ =	swait.ge [sflag:s23], $0x4F0  }
0x38: {  	[sflag:s23] =	ssyncset.done $0x0  }
0x39: {  	s15 =	rddreg [dreg:$0x5];
	[sflag:s23] =	ssyncadd.s32 $0xFFFFFB10  }
0x3a: {  	[tilespmem:s24], [sflag:$0x6] =	stream.linear.gather [hbm4b:s15+s5], $0x7D0, $0x38;
	[tilespmem:$0x1EA50] =	vst v63  }
0x3b: {  	_ =	swait.ge [sflag:s23], $0x7D0  }
0x3c: {  	[sflag:s23] =	ssyncset.done $0x0  }
0x3d: {  	[sflag:s23] =	ssyncadd.s32 $0xFFFFF830  }
0x3e: {  	[bflag:$0x0] =	sbarrier.arrive $0xFFFF  }
0x3f: {  	[tilespmem:s5], [sflag:$0x6] =	stream.linear.gather [hbm4b:s10+s5], $0x80, $0x38;
	[tilespmem:$0x1EA50] =	vst v63  }
0x40: {  	_ =	swait.ge [sflag:s23], $0x80  }
0x41: {  	[sflag:s23] =	ssyncset.done $0x0  }
0x42: {  	s15 =	rddreg [dreg:$0x9];
	[sflag:s23] =	ssyncadd.s32 $0xFFFFFF80  }
0x43: {  	[tilespmem:s25], [sflag:$0x6] =	stream.linear.gather [hbm4b:s15+s5], $0x80, $0x38;
	[tilespmem:$0x1EA50] =	vst v63  }
0x44: {  	_ =	swait.ge [sflag:s23], $0x80  }
0x45: {  	[sflag:s23] =	ssyncset.done $0x0  }
0x46: {  	[sflag:s23] =	ssyncadd.s32 $0xFFFFFF80  }
0x47: {  	[tilespmem:s28], [sflag:$0x1] =	stream.indirect.gather [hbm4b:s1+s26], $0x80, s5, s26, $0xb8;
	[tilespmem:$0x1EA50] =	vst v63  }
0x48: {  	s15 =	rddreg [dreg:$0xa]  }
0x49: {  	[tilespmem:s29], [sflag:$0x6] =	stream.linear.gather [hbm4b:s15+s5], $0x80, $0x38;
	[tilespmem:$0x1EA50] =	vst v63  }
0x4a: {  	_ =	swait.ge [sflag:s23], $0x80  }
0x4b: {  	[sflag:s23] =	ssyncset.done $0x0  }
0x4c: {  	s15 =	rddreg [dreg:$0xb];
	[sflag:s23] =	ssyncadd.s32 $0xFFFFFF80  }
0x4d: {  	[tilespmem:s30], [sflag:$0x6] =	stream.linear.gather [hbm4b:s15+s5], $0x80, $0x38;
	[tilespmem:$0x1EA50] =	vst v63  }
0x4e: {  	_ =	swait.ge [sflag:s23], $0x80  }
0x4f: {  	[sflag:s23] =	ssyncset.done $0x0  }
0x50: {  	s14 =	simm.s32 $0x0;
	[sflag:s23] =	ssyncadd.s32 $0xFFFFFF80  }
.LBB2_2:
0x51: {  	_ =	swait.ge [sflag:s31], $0x3E80  }
0x52: {  	[sflag:s31] =	ssyncset.done $0x0  }
0x53: {  	[sflag:s31] =	ssyncadd.s32 $0xFFFFC180  }
0x54: {  	[tilespmem:s0], [sflag:$0x2] =	stream.indirect.gather [hbm4b:s1+s26], $0x80, s29, s26, $0xb8;
	[tilespmem:$0x1EA50] =	vst v63  }
0x55: {  	_ = 	snop  }
0x56: {  	[spmem:s3] =	stream.indirect.scatter.add.f32 [tilespmem:s28], [sflag:$0x3], $0x80, s25, s26, $0xb8;
	[tilespmem:$0x1EA50] =	vst v63  }
0x57: {  	_ = 	snop  }
0x58: {  	[spmem:s4] =	stream.indirect.scatter.add.f32 [tilespmem:s24], [sflag:$0x5], $0x10, s25, s26, $0xb8;
	[tilespmem:$0x1EA50] =	vst v63  }
0x59: {  	_ =	swait.ge [sflag:s2], $0x3E80  }
0x5a: {  	[sflag:s2] =	ssyncset.done $0x0  }
0x5b: {  	[sflag:s2] =	ssyncadd.s32 $0xFFFFC180  }
0x5c: {  	[spmem:s3] =	stream.indirect.scatter.add.f32 [tilespmem:s0], [sflag:$0x4], $0x80, s30, s26, $0xb8;
	[tilespmem:$0x1EA50] =	vst v63  }
0x5d: {  	p0 =	seq.s32 s14, $0x4E0;
	_ =	swait.ge [sflag:s6], $0x3E80  }
.Ltmp2:
0x5e: {  	[sflag:s6] =	ssyncset.done $0x0;
	(pc) =	sbr.rel @p0 .LBB2_4-.Ltmp2, $4  }
0x5f: {  	[sflag:s6] =	ssyncadd.s32 $0xFFFFC180  }
0x60: {  	_ =	swait.ge [sflag:s7], $0x7D0  }
0x61: {  	[sflag:s7] =	ssyncset.done $0x0  }
0x62: {  	[sflag:s7] =	ssyncadd.s32 $0xFFFFF830  }
0x63: {  	s15 =	sadd.s32 s14, s21  }
0x64: {  	[tilespmem:s5], [sflag:$0x7] =	stream.linear.gather [hbm4b:s15+s5], $0x80, $0x38;
	[tilespmem:$0x1EA50] =	vst v63  }
0x65: {  	_ =	swait.ge [sflag:s11], $0x80  }
0x66: {  	[sflag:s11] =	ssyncset.done $0x0  }
0x67: {  	s15 =	sadd.s32 s14, s20;
	[sflag:s11] =	ssyncadd.s32 $0xFFFFFF80  }
0x68: {  	[tilespmem:s25], [sflag:$0x7] =	stream.linear.gather [hbm4b:s15+s5], $0x80, $0x38;
	[tilespmem:$0x1EA50] =	vst v63  }
0x69: {  	_ =	swait.ge [sflag:s11], $0x80  }
0x6a: {  	[sflag:s11] =	ssyncset.done $0x0  }
0x6b: {  	[sflag:s11] =	ssyncadd.s32 $0xFFFFFF80  }
0x6c: {  	[tilespmem:s28], [sflag:$0x1] =	stream.indirect.gather [hbm4b:s1+s26], $0x80, s5, s26, $0xb8;
	[tilespmem:$0x1EA50] =	vst v63  }
0x6d: {  	_ =	swait.ge [sflag:s9], $0x3E80  }
0x6e: {  	[sflag:s9] =	ssyncset.done $0x0  }
0x6f: {  	[sflag:s9] =	ssyncadd.s32 $0xFFFFC180  }
0x70: {  	[spmem:s4] =	stream.indirect.scatter.add.f32 [tilespmem:s24], [sflag:$0x5], $0x10, s30, s26, $0xb8;
	[tilespmem:$0x1EA50] =	vst v63  }
0x71: {  	_ =	swait.ge [sflag:s7], $0x7D0  }
0x72: {  	[sflag:s7] =	ssyncset.done $0x0  }
0x73: {  	s15 =	sadd.s32 s14, s19;
	[sflag:s7] =	ssyncadd.s32 $0xFFFFF830  }
0x74: {  	[tilespmem:s29], [sflag:$0x7] =	stream.linear.gather [hbm4b:s15+s5], $0x80, $0x38;
	[tilespmem:$0x1EA50] =	vst v63  }
0x75: {  	_ =	swait.ge [sflag:s11], $0x80  }
0x76: {  	[sflag:s11] =	ssyncset.done $0x0  }
.Ltmp3:
0x77: {  	s15 =	sadd.s32 s14, s18;
	[sflag:s11] =	ssyncadd.s32 $0xFFFFFF80;
	(pc) =	sbr.rel .LBB2_2-.Ltmp3, $4  }
0x78: {  	[tilespmem:s30], [sflag:$0x6] =	stream.linear.gather [hbm4b:s15+s5], $0x80, $0x38;
	[tilespmem:$0x1EA50] =	vst v63  }
0x79: {  	_ =	swait.ge [sflag:s23], $0x80  }
0x7a: {  	[sflag:s23] =	ssyncset.done $0x0  }
0x7b: {  	s14 =	sadd.s32 $0x20, s14;
	[sflag:s23] =	ssyncadd.s32 $0xFFFFFF80  }
.LBB2_5:
0x7c: {  	_ =	sfence.sel $0x180000  }
0x7d: {  	[bflag:$0x0] =	sbarrier.arrive $0xFFFF  }
0x7e: {  	_ =	strace $0x90000047  }
0x7f: {  	s0 =	stileid.u32;
	[bflag:$0x2] =	sbarrier.arrive $0xFFFF  }
0x80: {  	p0 =	sne.s32 s0, $0x0;
	s0 =	rddreg [dreg:$0x4]  }
0x81: {  	s0 =	sadd.s32 @!p0 $0x100000, s0  }
0x82: {  	[sflag:s0] =	ssyncadd.tile.s32 @!p0 $0x1;
	_ =	shalt  }
.Lfunc_end2:
_tile_overlayer_lowered:
.L_overlay_start_2:
0x83: {  	(tag) =	ssettag $0x2  }
0x84: {  	s0 =	rddreg [dreg:$0x0];
	s2 =	stileid.u32  }
0x85: {  	s1 =	rddreg [dreg:$0x1];
	p0 =	sne.s32 s2, $0x0  }
0x86: {  	s3 =	rddreg [dreg:$0x2];
	[bflag:$0x3] =	sbarrier.arrive $0xFFFF;
	s2 =	simm.s32 @!p0 $0x1C06  }
0x87: {  	[timem:s3], [sflag:s2] =	dma.local @!p0 [hbm:s0], s1  }
0x88: {  	s0 =	simm.s32 @!p0 $0x6  }
0x89: {  	_ =	swait.ge @!p0 [sflag:s0], s1  }
0x8a: {  	s1 =	ssub.s32 @!p0 $0x0, s1;
	[sflag:s0] =	ssyncset.done @!p0 $0x0  }
0x8b: {  	[sflag:s0] =	ssyncadd.s32 @!p0 s1  }
0x8c: {  	[bflag:$0x3] =	sbarrier.arrive $0xFFFF  }
0x8d: {  	_ =	shalt  }

</sc_bundles>
